<compile_context>
chip_gen: v7x
topology: tpu7x:2x2x1
jax: 0.10.2.dev20260603
libtpu: 0.0.44.dev20260713+nightly
codegen_flags: <defaults>
</compile_context>

<pallas_src>
import functools

import jax
import jax.numpy as jnp
from jax import lax
from jax.experimental import pallas as pl
from jax.experimental.pallas import tpu as pltpu
from jax.experimental.pallas import tpu_sc as plsc

L = 16
N = 1024
B = 32
K = 50
NFLAT = N * N
CHUNK = 32768
NCHUNK = NFLAT // CHUNK
GROUP = 512
VPG = GROUP // L
SUB = 8
NSUB = VPG // SUB
CAP = 2048
CAPA = CAP + GROUP + L
OUTW = 352
BIG = 0x7FFFFFFF


def _tree_max(vs):
  while len(vs) > 1:
    nxt = [jnp.maximum(vs[i], vs[i + 1]) for i in range(0, len(vs) - 1, 2)]
    if len(vs) % 2:
      nxt.append(vs[-1])
    vs = nxt
  return vs[0]


def _body(p_hbm, p2d_hbm, p3d_hbm, scale_hbm, out_hbm,
          buf0, cvals, cidx, p2dv, p3dv, scalev, selv, seli, outv,
          cnt_s, thr_s, sem0):
  b = lax.axis_index("s") * 2 + lax.axis_index("c")
  iota = lax.iota(jnp.int32, L)
  lane0 = iota == 0

  pltpu.sync_copy(p2d_hbm.at[b], p2dv)
  pltpu.sync_copy(p3d_hbm.at[b], p3dv)
  pltpu.sync_copy(scale_hbm, scalev)

  cnt_s[0] = jnp.int32(0)
  thr_s[0] = jnp.float32(-1.0)

  def reduce_buffer():
    cnt = cnt_s[0]
    nv = (cnt + (L - 1)) >> 4

    def count_ge(midf):
      def cbody(j, c):
        vj = cvals[pl.ds(j * L, L)]
        valid = (j * L + iota) < cnt
        ge = jnp.logical_and(vj >= midf, valid)
        return c + jnp.max(plsc.all_reduce_population_count(ge))
      return lax.fori_loop(0, nv, cbody, jnp.int32(0))

    def bis_body(_, lohi):
      lo, hi = lohi
      mid = lo + ((hi - lo) >> 1)
      midf = plsc.bitcast(jnp.full((L,), mid, dtype=jnp.int32), jnp.float32)
      c = count_ge(midf)
      ok = c >= K
      return (jnp.where(ok, mid, lo), jnp.where(ok, hi, mid))

    lo, _ = lax.fori_loop(0, 31, bis_body,
                          (jnp.int32(0), jnp.int32(0x7F800000)))
    tvec = plsc.bitcast(jnp.full((L,), lo, dtype=jnp.int32), jnp.float32)
    t = jnp.max(tvec)
    thr_s[0] = t

    def comp_body(j, w):
      vj = cvals[pl.ds(j * L, L)]
      ij = cidx[pl.ds(j * L, L)]
      valid = (j * L + iota) < cnt
      keep = jnp.logical_and(vj >= t, valid)
      plsc.store_compressed(cvals.at[pl.ds(w, L)], vj, mask=keep)
      plsc.store_compressed(cidx.at[pl.ds(w, L)], ij, mask=keep)
      return w + jnp.max(plsc.all_reduce_population_count(keep))

    cnt_s[0] = lax.fori_loop(0, nv, comp_body, jnp.int32(0))

  def process_chunk(ci, t_in):
    base = ci * CHUNK

    def group_body(g, t):
      vs = [buf0[pl.ds(g * GROUP + k * L, L)] for k in range(VPG)]
      m = _tree_max(vs)

      def detail():
        gbase = base + g * GROUP

        def sub_body(s, _):
          sb = g * GROUP + s * (SUB * L)
          ws = [buf0[pl.ds(sb + k * L, L)] for k in range(SUB)]
          ms = _tree_max(ws)

          @pl.when(jnp.any(ms > t))
          def _():
            cnt = cnt_s[0]
            for k in range(SUB):
              msk = ws[k] > t
              plsc.store_compressed(cvals.at[pl.ds(cnt, L)], ws[k],
                                    mask=msk)
              plsc.store_compressed(cidx.at[pl.ds(cnt, L)],
                                    gbase + s * (SUB * L) + k * L + iota,
                                    mask=msk)
              cnt = cnt + jnp.max(plsc.all_reduce_population_count(msk))
            cnt_s[0] = cnt
          return 0

        lax.fori_loop(0, NSUB, sub_body, 0)

        @pl.when(cnt_s[0] > CAP)
        def _():
          reduce_buffer()
        return thr_s[0]

      return lax.cond(jnp.any(m > t), detail, lambda: t)

    return lax.fori_loop(0, CHUNK // GROUP, group_body, t_in)

  def chunk_src(ci):
    return p_hbm.at[b, pl.ds(ci * CHUNK, CHUNK)]

  def pipe_body(ci, t):
    pltpu.sync_copy(chunk_src(ci), buf0)
    return process_chunk(ci, t)

  lax.fori_loop(0, NCHUNK, pipe_body, jnp.float32(-1.0))

  reduce_buffer()
  cnt = cnt_s[0]
  cvals[pl.ds(cnt, L)] = jnp.full((L,), -1.0, dtype=jnp.float32)
  nv = (cnt + (L - 1)) >> 4

  def sel_body(k, _):
    def max_body(j, m):
      return jnp.maximum(m, cvals[pl.ds(j * L, L)])
    mval = jnp.max(lax.fori_loop(0, nv, max_body,
                                 jnp.full((L,), -1.0, dtype=jnp.float32)))

    def min_body(j, mn):
      vj = cvals[pl.ds(j * L, L)]
      ij = cidx[pl.ds(j * L, L)]
      return jnp.minimum(mn, jnp.where(vj == mval, ij, BIG))
    midx = jnp.min(lax.fori_loop(0, nv, min_body,
                                 jnp.full((L,), BIG, dtype=jnp.int32)))

    def kill_body(j, _):
      vj = cvals[pl.ds(j * L, L)]
      ij = cidx[pl.ds(j * L, L)]
      hit = jnp.logical_and(vj == mval, ij == midx)
      cvals[pl.ds(j * L, L)] = jnp.where(hit, -1.0, vj)
      return 0
    lax.fori_loop(0, nv, kill_body, 0)

    plsc.store_scatter(selv, [jnp.full((L,), k, dtype=jnp.int32)],
                       jnp.full((L,), mval), mask=lane0)
    plsc.store_scatter(seli, [jnp.full((L,), k, dtype=jnp.int32)],
                       jnp.full((L,), midx), mask=lane0)
    return 0

  lax.fori_loop(0, K, sel_body, 0)

  scale_vec = plsc.load_gather(scalev, [jnp.full((L,), b, dtype=jnp.int32)])
  for j in range((K + L - 1) // L):
    lanes = j * L + iota
    valid = lanes < K
    vals = selv[pl.ds(j * L, L)]
    idxs = jnp.where(valid, seli[pl.ds(j * L, L)], 0)
    row = lax.shift_right_logical(idxs, 10)
    col = jnp.bitwise_and(idxs, N - 1)
    ax = plsc.load_gather(p2dv, [row * 2], mask=valid)
    ay = plsc.load_gather(p2dv, [row * 2 + 1], mask=valid)
    px = plsc.load_gather(p3dv, [col * 3], mask=valid)
    py = plsc.load_gather(p3dv, [col * 3 + 1], mask=valid)
    pz = plsc.load_gather(p3dv, [col * 3 + 2], mask=valid)
    w = vals * scale_vec
    obase = lanes * 7
    plsc.store_scatter(outv, [obase], ax, mask=valid)
    plsc.store_scatter(outv, [obase + 1], ay, mask=valid)
    plsc.store_scatter(outv, [obase + 2], px, mask=valid)
    plsc.store_scatter(outv, [obase + 3], py, mask=valid)
    plsc.store_scatter(outv, [obase + 4], pz, mask=valid)
    plsc.store_scatter(outv, [obase + 5], w, mask=valid)
    plsc.store_scatter(outv, [obase + 6], w, mask=valid)

  pltpu.sync_copy(outv, out_hbm.at[b])


@jax.jit
def _run(p_flat, p2d_flat, p3d_flat, scale):
  mesh = plsc.VectorSubcoreMesh(core_axis_name="c", subcore_axis_name="s")
  k = pl.kernel(
      _body,
      out_type=jax.ShapeDtypeStruct((B, OUTW), jnp.float32),
      mesh=mesh,
      compiler_params=pltpu.CompilerParams(needs_layout_passes=False),
      scratch_types=[
          pltpu.VMEM((CHUNK,), jnp.float32),
          pltpu.VMEM((CAPA,), jnp.float32),
          pltpu.VMEM((CAPA,), jnp.int32),
          pltpu.VMEM((2 * N,), jnp.float32),
          pltpu.VMEM((3 * N,), jnp.float32),
          pltpu.VMEM((B,), jnp.float32),
          pltpu.VMEM((64,), jnp.float32),
          pltpu.VMEM((64,), jnp.int32),
          pltpu.VMEM((OUTW,), jnp.float32),
          pltpu.SMEM((1,), jnp.int32),
          pltpu.SMEM((1,), jnp.float32),
          pltpu.SemaphoreType.DMA,
      ],
  )
  return k(p_flat, p2d_flat, p3d_flat, scale)


def kernel(P, p2d, p3d, num_points_2d, num_points_3d, ransac):
  scale = jnp.minimum(num_points_2d, num_points_3d).astype(jnp.float32)
  out = _run(P.reshape(B, NFLAT), p2d.reshape(B, 2 * N),
             p3d.reshape(B, 3 * N), scale)
  return out[:, :K * 7].reshape(B, K, 7)

# --- scband reference (transcript-rebuilt; emitter-appended) ---
"""Pipeline reference for scband-get-pose-init-19413252178439 (READ-ONLY COPY).

The authoritative reference and input builder live on the scoring server;
editing this copy changes nothing except your own understanding.
"""

import jax, jax.numpy as jnp
import numpy as np


def setup_inputs(seed: int = 0) -> dict:
    key = jax.random.key(seed)
    k1, k2, k3, k4, k5 = jax.random.split(key, 5)
    B, N = 32, 1024
    P = jax.random.uniform(k1, (B, N, N), dtype=jnp.float32)
    p2d = jax.random.normal(k2, (B, N, 2), dtype=jnp.float32)
    p3d = jax.random.normal(k3, (B, N, 3), dtype=jnp.float32)
    num_points_2d = jax.random.randint(k4, (B,), 1, 1024)
    num_points_3d = jax.random.randint(k5, (B,), 1, 1024)
    return {
        "P": P,
        "p2d": p2d,
        "p3d": p3d,
        "num_points_2d": num_points_2d,
        "num_points_3d": num_points_3d,
        "ransac": 0,
    }


def reference(P, p2d, p3d, num_points_2d, num_points_3d, ransac):
    # ransac=False branch: flattened top-k over the [n2d, n3d] correspondence
    # probability matrix, decompose flat indices into 2D/3D point indices,
    # gather sorted correspondences and build the EProPnP weight tensor w2d.
    # (The downstream EProPnP LM solver / cv2.solvePnPRansac is an external
    # iterative solver and is not part of the top-k masking core.)
    top_k = min(200, round(0.8 * p2d.shape[-2]))
    Pf = P.reshape(P.shape[0], -1)
    P_value, P_topk_i = jax.lax.top_k(Pf, top_k)
    n3d = P.shape[-1]
    p2d_indices = P_topk_i // n3d
    p3d_indices = P_topk_i % n3d
    p2d_sort = jnp.take_along_axis(p2d, p2d_indices[..., None], axis=1)
    p3d_sort = jnp.take_along_axis(p3d, p3d_indices[..., None], axis=1)
    num_points_ransac = 50
    P_min = P_value[:, :num_points_ransac, None]
    scale = jnp.minimum(num_points_2d.astype(jnp.float32),
                        num_points_3d.astype(jnp.float32))[:, None, None]
    P_min = P_min * scale
    w2d = jnp.concatenate([P_min, P_min], axis=-1)
    p2d_min = p2d_sort[:, :num_points_ransac, :]
    p3d_min = p3d_sort[:, :num_points_ransac, :]
    return jnp.concatenate([p2d_min, p3d_min, w2d], axis=-1)

if __name__ == "__main__":
    import jax
    _d = setup_inputs()
    print(jax.jit(kernel)(*tuple(_d.values())))

</pallas_src>

<mosaic_0001>
#map = affine_map<(d0, d1) -> (0, 0)>
#map1 = affine_map<(d0, d1) -> (0)>
module attributes {stable_mosaic.version = 14 : i64} {
  func.func @_body(%arg0: i32, %arg1: i32, %arg2: memref<32x1048576xf32, #tpu.memory_space<hbm>>, %arg3: memref<32x2048xf32, #tpu.memory_space<hbm>>, %arg4: memref<32x3072xf32, #tpu.memory_space<hbm>>, %arg5: memref<32xf32, #tpu.memory_space<hbm>>, %arg6: memref<32x352xf32, #tpu.memory_space<hbm>>, %arg7: memref<32768xf32, #tpu.memory_space<vmem>>, %arg8: memref<2576xf32, #tpu.memory_space<vmem>>, %arg9: memref<2576xi32, #tpu.memory_space<vmem>>, %arg10: memref<2048xf32, #tpu.memory_space<vmem>>, %arg11: memref<3072xf32, #tpu.memory_space<vmem>>, %arg12: memref<32xf32, #tpu.memory_space<vmem>>, %arg13: memref<64xf32, #tpu.memory_space<vmem>>, %arg14: memref<64xi32, #tpu.memory_space<vmem>>, %arg15: memref<352xf32, #tpu.memory_space<vmem>>, %arg16: memref<1xi32, #tpu.memory_space<smem>>, %arg17: memref<1xf32, #tpu.memory_space<smem>>, %arg18: memref<!tpu.dma_semaphore, #tpu.memory_space<semaphore_mem>>) attributes {dimension_semantics = [#tpu.dimension_semantics<core_parallel>, #tpu.dimension_semantics<subcore_parallel>], iteration_bounds = array<i64: 2, 16>, scalar_prefetch = 0 : i64, scratch_operands = 12 : i64, tpu.core_type = #tpu.core_type<sc_vector_subcore>, window_params = [{transform_indices = #map}, {transform_indices = #map}, {transform_indices = #map}, {transform_indices = #map1}, {transform_indices = #map}]} {
    %mul3A = arith.constant 2 : i32
    %mul3A_0 = arith.muli %arg1, %mul3A : i32
    %add3A = arith.addi %mul3A_0, %arg0 : i32
    %iota3A = tpu.iota {dimensions = array<i32: 0>} : vector<16xi32>
    %eq3A = arith.constant 0 : i32
    %eq3A_1 = vector.broadcast %eq3A : i32 to vector<16xi32>
    %eq3A_2 = arith.cmpi eq, %iota3A, %eq3A_1 : vector<16xi32>
    "tpu.region"() ({
      %run_scoped3A = tpu.sem_alloc : memref<!tpu.dma_semaphore, #tpu.memory_space<semaphore_mem>>
      %dma_start3A = arith.constant 0 : i32
      %dma_start3A_343 = tpu.memref_slice %arg3[%add3A, %dma_start3A] : memref<32x2048xf32, #tpu.memory_space<hbm>> -> memref<1x2048xf32, #tpu.memory_space<hbm>>
      %dma_start3A_344 = tpu.memref_squeeze %dma_start3A_343 : memref<1x2048xf32, #tpu.memory_space<hbm>> -> memref<2048xf32, #tpu.memory_space<hbm>>
      %dma_start3A_345 = arith.constant 0 : i32
      %dma_start3A_346 = tpu.memref_slice %arg3[%add3A, %dma_start3A_345] : memref<32x2048xf32, #tpu.memory_space<hbm>> -> memref<1x2048xf32, #tpu.memory_space<hbm>>
      %dma_start3A_347 = tpu.memref_squeeze %dma_start3A_346 : memref<1x2048xf32, #tpu.memory_space<hbm>> -> memref<2048xf32, #tpu.memory_space<hbm>>
      tpu.enqueue_dma source(%dma_start3A_347 : memref<2048xf32, #tpu.memory_space<hbm>>) target(%arg10 : memref<2048xf32, #tpu.memory_space<vmem>>) target_semaphore(%run_scoped3A : memref<!tpu.dma_semaphore, #tpu.memory_space<semaphore_mem>>)
      %dma_wait3A = arith.constant 0 : i32
      %dma_wait3A_348 = tpu.memref_slice %arg3[%add3A, %dma_wait3A] : memref<32x2048xf32, #tpu.memory_space<hbm>> -> memref<1x2048xf32, #tpu.memory_space<hbm>>
      %dma_wait3A_349 = tpu.memref_squeeze %dma_wait3A_348 : memref<1x2048xf32, #tpu.memory_space<hbm>> -> memref<2048xf32, #tpu.memory_space<hbm>>
      %dma_wait3A_350 = arith.constant 0 : i32
      %dma_wait3A_351 = tpu.memref_slice %arg3[%add3A, %dma_wait3A_350] : memref<32x2048xf32, #tpu.memory_space<hbm>> -> memref<1x2048xf32, #tpu.memory_space<hbm>>
      %dma_wait3A_352 = tpu.memref_squeeze %dma_wait3A_351 : memref<1x2048xf32, #tpu.memory_space<hbm>> -> memref<2048xf32, #tpu.memory_space<hbm>>
      tpu.wait_dma2 semaphore(%run_scoped3A : memref<!tpu.dma_semaphore, #tpu.memory_space<semaphore_mem>>) src(%dma_wait3A_352 : memref<2048xf32, #tpu.memory_space<hbm>>) dst(%arg10 : memref<2048xf32, #tpu.memory_space<vmem>>)
      tpu.yield
    }) : () -> ()
    "tpu.region"() ({
      %run_scoped3A = tpu.sem_alloc : memref<!tpu.dma_semaphore, #tpu.memory_space<semaphore_mem>>
      %dma_start3A = arith.constant 0 : i32
      %dma_start3A_343 = tpu.memref_slice %arg4[%add3A, %dma_start3A] : memref<32x3072xf32, #tpu.memory_space<hbm>> -> memref<1x3072xf32, #tpu.memory_space<hbm>>
      %dma_start3A_344 = tpu.memref_squeeze %dma_start3A_343 : memref<1x3072xf32, #tpu.memory_space<hbm>> -> memref<3072xf32, #tpu.memory_space<hbm>>
      %dma_start3A_345 = arith.constant 0 : i32
      %dma_start3A_346 = tpu.memref_slice %arg4[%add3A, %dma_start3A_345] : memref<32x3072xf32, #tpu.memory_space<hbm>> -> memref<1x3072xf32, #tpu.memory_space<hbm>>
      %dma_start3A_347 = tpu.memref_squeeze %dma_start3A_346 : memref<1x3072xf32, #tpu.memory_space<hbm>> -> memref<3072xf32, #tpu.memory_space<hbm>>
      tpu.enqueue_dma source(%dma_start3A_347 : memref<3072xf32, #tpu.memory_space<hbm>>) target(%arg11 : memref<3072xf32, #tpu.memory_space<vmem>>) target_semaphore(%run_scoped3A : memref<!tpu.dma_semaphore, #tpu.memory_space<semaphore_mem>>)
      %dma_wait3A = arith.constant 0 : i32
      %dma_wait3A_348 = tpu.memref_slice %arg4[%add3A, %dma_wait3A] : memref<32x3072xf32, #tpu.memory_space<hbm>> -> memref<1x3072xf32, #tpu.memory_space<hbm>>
      %dma_wait3A_349 = tpu.memref_squeeze %dma_wait3A_348 : memref<1x3072xf32, #tpu.memory_space<hbm>> -> memref<3072xf32, #tpu.memory_space<hbm>>
      %dma_wait3A_350 = arith.constant 0 : i32
      %dma_wait3A_351 = tpu.memref_slice %arg4[%add3A, %dma_wait3A_350] : memref<32x3072xf32, #tpu.memory_space<hbm>> -> memref<1x3072xf32, #tpu.memory_space<hbm>>
      %dma_wait3A_352 = tpu.memref_squeeze %dma_wait3A_351 : memref<1x3072xf32, #tpu.memory_space<hbm>> -> memref<3072xf32, #tpu.memory_space<hbm>>
      tpu.wait_dma2 semaphore(%run_scoped3A : memref<!tpu.dma_semaphore, #tpu.memory_space<semaphore_mem>>) src(%dma_wait3A_352 : memref<3072xf32, #tpu.memory_space<hbm>>) dst(%arg11 : memref<3072xf32, #tpu.memory_space<vmem>>)
      tpu.yield
    }) : () -> ()
    "tpu.region"() ({
      %run_scoped3A = tpu.sem_alloc : memref<!tpu.dma_semaphore, #tpu.memory_space<semaphore_mem>>
      tpu.enqueue_dma source(%arg5 : memref<32xf32, #tpu.memory_space<hbm>>) target(%arg12 : memref<32xf32, #tpu.memory_space<vmem>>) target_semaphore(%run_scoped3A : memref<!tpu.dma_semaphore, #tpu.memory_space<semaphore_mem>>)
      tpu.wait_dma2 semaphore(%run_scoped3A : memref<!tpu.dma_semaphore, #tpu.memory_space<semaphore_mem>>) src(%arg5 : memref<32xf32, #tpu.memory_space<hbm>>) dst(%arg12 : memref<32xf32, #tpu.memory_space<vmem>>)
      tpu.yield
    }) : () -> ()
    %swap3A = arith.constant 0 : i32
    %swap3A_3 = arith.constant 0 : i32
    %swap3A_4 = arith.index_cast %swap3A_3 : i32 to index
    %swap3A_5 = memref.load %arg16[%swap3A_4] : memref<1xi32, #tpu.memory_space<smem>>
    memref.store %swap3A, %arg16[%swap3A_4] : memref<1xi32, #tpu.memory_space<smem>>
    %swap3A_6 = arith.constant -1.000000e+00 : f32
    %swap3A_7 = arith.constant 0 : i32
    %swap3A_8 = arith.index_cast %swap3A_7 : i32 to index
    %swap3A_9 = memref.load %arg17[%swap3A_8] : memref<1xf32, #tpu.memory_space<smem>>
    memref.store %swap3A_6, %arg17[%swap3A_8] : memref<1xf32, #tpu.memory_space<smem>>
    %scan3A = arith.constant -1.000000e+00 : f32
    %scan3A_10 = arith.constant 0 : i32
    %scan3A_11 = arith.constant 32 : i32
    %scan3A_12 = arith.addi %scan3A_10, %scan3A_11 : i32
    %scan3A_13 = arith.constant 1 : i32
    %scan3A_14 = scf.for %scan3A_343 = %scan3A_10 to %scan3A_12 step %scan3A_13 iter_args(%scan3A_344 = %scan3A) -> (f32)  : i32 {
      %mul3A_345 = arith.constant 32768 : i32
      %mul3A_346 = arith.muli %scan3A_343, %mul3A_345 : i32
      "tpu.region"() ({
        %run_scoped3A = tpu.sem_alloc : memref<!tpu.dma_semaphore, #tpu.memory_space<semaphore_mem>>
        %dma_start3A = tpu.memref_slice %arg2[%add3A, %mul3A_346] : memref<32x1048576xf32, #tpu.memory_space<hbm>> -> memref<1x32768xf32, #tpu.memory_space<hbm>>
        %dma_start3A_355 = tpu.memref_squeeze %dma_start3A : memref<1x32768xf32, #tpu.memory_space<hbm>> -> memref<32768xf32, #tpu.memory_space<hbm>>
        %dma_start3A_356 = tpu.memref_slice %arg2[%add3A, %mul3A_346] : memref<32x1048576xf32, #tpu.memory_space<hbm>> -> memref<1x32768xf32, #tpu.memory_space<hbm>>
        %dma_start3A_357 = tpu.memref_squeeze %dma_start3A_356 : memref<1x32768xf32, #tpu.memory_space<hbm>> -> memref<32768xf32, #tpu.memory_space<hbm>>
        tpu.enqueue_dma source(%dma_start3A_357 : memref<32768xf32, #tpu.memory_space<hbm>>) target(%arg7 : memref<32768xf32, #tpu.memory_space<vmem>>) target_semaphore(%run_scoped3A : memref<!tpu.dma_semaphore, #tpu.memory_space<semaphore_mem>>)
        %dma_wait3A = tpu.memref_slice %arg2[%add3A, %mul3A_346] : memref<32x1048576xf32, #tpu.memory_space<hbm>> -> memref<1x32768xf32, #tpu.memory_space<hbm>>
        %dma_wait3A_358 = tpu.memref_squeeze %dma_wait3A : memref<1x32768xf32, #tpu.memory_space<hbm>> -> memref<32768xf32, #tpu.memory_space<hbm>>
        %dma_wait3A_359 = tpu.memref_slice %arg2[%add3A, %mul3A_346] : memref<32x1048576xf32, #tpu.memory_space<hbm>> -> memref<1x32768xf32, #tpu.memory_space<hbm>>
        %dma_wait3A_360 = tpu.memref_squeeze %dma_wait3A_359 : memref<1x32768xf32, #tpu.memory_space<hbm>> -> memref<32768xf32, #tpu.memory_space<hbm>>
        tpu.wait_dma2 semaphore(%run_scoped3A : memref<!tpu.dma_semaphore, #tpu.memory_space<semaphore_mem>>) src(%dma_wait3A_360 : memref<32768xf32, #tpu.memory_space<hbm>>) dst(%arg7 : memref<32768xf32, #tpu.memory_space<vmem>>)
        tpu.yield
      }) : () -> ()
      %mul3A_347 = arith.constant 32768 : i32
      %mul3A_348 = arith.muli %scan3A_343, %mul3A_347 : i32
      %scan3A_349 = arith.constant 0 : i32
      %scan3A_350 = arith.constant 64 : i32
      %scan3A_351 = arith.addi %scan3A_349, %scan3A_350 : i32
      %scan3A_352 = arith.constant 1 : i32
      %scan3A_353 = scf.for %scan3A_355 = %scan3A_349 to %scan3A_351 step %scan3A_352 iter_args(%scan3A_356 = %scan3A_344) -> (f32)  : i32 {
        %mul3A_357 = arith.constant 512 : i32
        %mul3A_358 = arith.muli %scan3A_355, %mul3A_357 : i32
        %add3A_359 = arith.constant 0 : i32
        %add3A_360 = arith.addi %mul3A_358, %add3A_359 : i32
        %get3A_361 = arith.index_cast %add3A_360 : i32 to index
        %get3A_362 = tpu.vector_load %arg7[%get3A_361] {strides = array<i32>} : memref<32768xf32, #tpu.memory_space<vmem>>, vector<16xf32>,
        %mul3A_363 = arith.constant 512 : i32
        %mul3A_364 = arith.muli %scan3A_355, %mul3A_363 : i32
        %add3A_365 = arith.constant 16 : i32
        %add3A_366 = arith.addi %mul3A_364, %add3A_365 : i32
        %get3A_367 = arith.index_cast %add3A_366 : i32 to index
        %get3A_368 = tpu.vector_load %arg7[%get3A_367] {strides = array<i32>} : memref<32768xf32, #tpu.memory_space<vmem>>, vector<16xf32>,
        %mul3A_369 = arith.constant 512 : i32
        %mul3A_370 = arith.muli %scan3A_355, %mul3A_369 : i32
        %add3A_371 = arith.constant 32 : i32
        %add3A_372 = arith.addi %mul3A_370, %add3A_371 : i32
        %get3A_373 = arith.index_cast %add3A_372 : i32 to index
        %get3A_374 = tpu.vector_load %arg7[%get3A_373] {strides = array<i32>} : memref<32768xf32, #tpu.memory_space<vmem>>, vector<16xf32>,
        %mul3A_375 = arith.constant 512 : i32
        %mul3A_376 = arith.muli %scan3A_355, %mul3A_375 : i32
        %add3A_377 = arith.constant 48 : i32
        %add3A_378 = arith.addi %mul3A_376, %add3A_377 : i32
        %get3A_379 = arith.index_cast %add3A_378 : i32 to index
        %get3A_380 = tpu.vector_load %arg7[%get3A_379] {strides = array<i32>} : memref<32768xf32, #tpu.memory_space<vmem>>, vector<16xf32>,
        %mul3A_381 = arith.constant 512 : i32
        %mul3A_382 = arith.muli %scan3A_355, %mul3A_381 : i32
        %add3A_383 = arith.constant 64 : i32
        %add3A_384 = arith.addi %mul3A_382, %add3A_383 : i32
        %get3A_385 = arith.index_cast %add3A_384 : i32 to index
        %get3A_386 = tpu.vector_load %arg7[%get3A_385] {strides = array<i32>} : memref<32768xf32, #tpu.memory_space<vmem>>, vector<16xf32>,
        %mul3A_387 = arith.constant 512 : i32
        %mul3A_388 = arith.muli %scan3A_355, %mul3A_387 : i32
        %add3A_389 = arith.constant 80 : i32
        %add3A_390 = arith.addi %mul3A_388, %add3A_389 : i32
        %get3A_391 = arith.index_cast %add3A_390 : i32 to index
        %get3A_392 = tpu.vector_load %arg7[%get3A_391] {strides = array<i32>} : memref<32768xf32, #tpu.memory_space<vmem>>, vector<16xf32>,
        %mul3A_393 = arith.constant 512 : i32
        %mul3A_394 = arith.muli %scan3A_355, %mul3A_393 : i32
        %add3A_395 = arith.constant 96 : i32
        %add3A_396 = arith.addi %mul3A_394, %add3A_395 : i32
        %get3A_397 = arith.index_cast %add3A_396 : i32 to index
        %get3A_398 = tpu.vector_load %arg7[%get3A_397] {strides = array<i32>} : memref<32768xf32, #tpu.memory_space<vmem>>, vector<16xf32>,
        %mul3A_399 = arith.constant 512 : i32
        %mul3A_400 = arith.muli %scan3A_355, %mul3A_399 : i32
        %add3A_401 = arith.constant 112 : i32
        %add3A_402 = arith.addi %mul3A_400, %add3A_401 : i32
        %get3A_403 = arith.index_cast %add3A_402 : i32 to index
        %get3A_404 = tpu.vector_load %arg7[%get3A_403] {strides = array<i32>} : memref<32768xf32, #tpu.memory_space<vmem>>, vector<16xf32>,
        %mul3A_405 = arith.constant 512 : i32
        %mul3A_406 = arith.muli %scan3A_355, %mul3A_405 : i32
        %add3A_407 = arith.constant 128 : i32
        %add3A_408 = arith.addi %mul3A_406, %add3A_407 : i32
        %get3A_409 = arith.index_cast %add3A_408 : i32 to index
        %get3A_410 = tpu.vector_load %arg7[%get3A_409] {strides = array<i32>} : memref<32768xf32, #tpu.memory_space<vmem>>, vector<16xf32>,
        %mul3A_411 = arith.constant 512 : i32
        %mul3A_412 = arith.muli %scan3A_355, %mul3A_411 : i32
        %add3A_413 = arith.constant 144 : i32
        %add3A_414 = arith.addi %mul3A_412, %add3A_413 : i32
        %get3A_415 = arith.index_cast %add3A_414 : i32 to index
        %get3A_416 = tpu.vector_load %arg7[%get3A_415] {strides = array<i32>} : memref<32768xf32, #tpu.memory_space<vmem>>, vector<16xf32>,
        %mul3A_417 = arith.constant 512 : i32
        %mul3A_418 = arith.muli %scan3A_355, %mul3A_417 : i32
        %add3A_419 = arith.constant 160 : i32
        %add3A_420 = arith.addi %mul3A_418, %add3A_419 : i32
        %get3A_421 = arith.index_cast %add3A_420 : i32 to index
        %get3A_422 = tpu.vector_load %arg7[%get3A_421] {strides = array<i32>} : memref<32768xf32, #tpu.memory_space<vmem>>, vector<16xf32>,
        %mul3A_423 = arith.constant 512 : i32
        %mul3A_424 = arith.muli %scan3A_355, %mul3A_423 : i32
        %add3A_425 = arith.constant 176 : i32
        %add3A_426 = arith.addi %mul3A_424, %add3A_425 : i32
        %get3A_427 = arith.index_cast %add3A_426 : i32 to index
        %get3A_428 = tpu.vector_load %arg7[%get3A_427] {strides = array<i32>} : memref<32768xf32, #tpu.memory_space<vmem>>, vector<16xf32>,
        %mul3A_429 = arith.constant 512 : i32
        %mul3A_430 = arith.muli %scan3A_355, %mul3A_429 : i32
        %add3A_431 = arith.constant 192 : i32
        %add3A_432 = arith.addi %mul3A_430, %add3A_431 : i32
        %get3A_433 = arith.index_cast %add3A_432 : i32 to index
        %get3A_434 = tpu.vector_load %arg7[%get3A_433] {strides = array<i32>} : memref<32768xf32, #tpu.memory_space<vmem>>, vector<16xf32>,
        %mul3A_435 = arith.constant 512 : i32
        %mul3A_436 = arith.muli %scan3A_355, %mul3A_435 : i32
        %add3A_437 = arith.constant 208 : i32
        %add3A_438 = arith.addi %mul3A_436, %add3A_437 : i32
        %get3A_439 = arith.index_cast %add3A_438 : i32 to index
        %get3A_440 = tpu.vector_load %arg7[%get3A_439] {strides = array<i32>} : memref<32768xf32, #tpu.memory_space<vmem>>, vector<16xf32>,
        %mul3A_441 = arith.constant 512 : i32
        %mul3A_442 = arith.muli %scan3A_355, %mul3A_441 : i32
        %add3A_443 = arith.constant 224 : i32
        %add3A_444 = arith.addi %mul3A_442, %add3A_443 : i32
        %get3A_445 = arith.index_cast %add3A_444 : i32 to index
        %get3A_446 = tpu.vector_load %arg7[%get3A_445] {strides = array<i32>} : memref<32768xf32, #tpu.memory_space<vmem>>, vector<16xf32>,
        %mul3A_447 = arith.constant 512 : i32
        %mul3A_448 = arith.muli %scan3A_355, %mul3A_447 : i32
        %add3A_449 = arith.constant 240 : i32
        %add3A_450 = arith.addi %mul3A_448, %add3A_449 : i32
        %get3A_451 = arith.index_cast %add3A_450 : i32 to index
        %get3A_452 = tpu.vector_load %arg7[%get3A_451] {strides = array<i32>} : memref<32768xf32, #tpu.memory_space<vmem>>, vector<16xf32>,
        %mul3A_453 = arith.constant 512 : i32
        %mul3A_454 = arith.muli %scan3A_355, %mul3A_453 : i32
        %add3A_455 = arith.constant 256 : i32
        %add3A_456 = arith.addi %mul3A_454, %add3A_455 : i32
        %get3A_457 = arith.index_cast %add3A_456 : i32 to index
        %get3A_458 = tpu.vector_load %arg7[%get3A_457] {strides = array<i32>} : memref<32768xf32, #tpu.memory_space<vmem>>, vector<16xf32>,
        %mul3A_459 = arith.constant 512 : i32
        %mul3A_460 = arith.muli %scan3A_355, %mul3A_459 : i32
        %add3A_461 = arith.constant 272 : i32
        %add3A_462 = arith.addi %mul3A_460, %add3A_461 : i32
        %get3A_463 = arith.index_cast %add3A_462 : i32 to index
        %get3A_464 = tpu.vector_load %arg7[%get3A_463] {strides = array<i32>} : memref<32768xf32, #tpu.memory_space<vmem>>, vector<16xf32>,
        %mul3A_465 = arith.constant 512 : i32
        %mul3A_466 = arith.muli %scan3A_355, %mul3A_465 : i32
        %add3A_467 = arith.constant 288 : i32
        %add3A_468 = arith.addi %mul3A_466, %add3A_467 : i32
        %get3A_469 = arith.index_cast %add3A_468 : i32 to index
        %get3A_470 = tpu.vector_load %arg7[%get3A_469] {strides = array<i32>} : memref<32768xf32, #tpu.memory_space<vmem>>, vector<16xf32>,
        %mul3A_471 = arith.constant 512 : i32
        %mul3A_472 = arith.muli %scan3A_355, %mul3A_471 : i32
        %add3A_473 = arith.constant 304 : i32
        %add3A_474 = arith.addi %mul3A_472, %add3A_473 : i32
        %get3A_475 = arith.index_cast %add3A_474 : i32 to index
        %get3A_476 = tpu.vector_load %arg7[%get3A_475] {strides = array<i32>} : memref<32768xf32, #tpu.memory_space<vmem>>, vector<16xf32>,
        %mul3A_477 = arith.constant 512 : i32
        %mul3A_478 = arith.muli %scan3A_355, %mul3A_477 : i32
        %add3A_479 = arith.constant 320 : i32
        %add3A_480 = arith.addi %mul3A_478, %add3A_479 : i32
        %get3A_481 = arith.index_cast %add3A_480 : i32 to index
        %get3A_482 = tpu.vector_load %arg7[%get3A_481] {strides = array<i32>} : memref<32768xf32, #tpu.memory_space<vmem>>, vector<16xf32>,
        %mul3A_483 = arith.constant 512 : i32
        %mul3A_484 = arith.muli %scan3A_355, %mul3A_483 : i32
        %add3A_485 = arith.constant 336 : i32
        %add3A_486 = arith.addi %mul3A_484, %add3A_485 : i32
        %get3A_487 = arith.index_cast %add3A_486 : i32 to index
        %get3A_488 = tpu.vector_load %arg7[%get3A_487] {strides = array<i32>} : memref<32768xf32, #tpu.memory_space<vmem>>, vector<16xf32>,
        %mul3A_489 = arith.constant 512 : i32
        %mul3A_490 = arith.muli %scan3A_355, %mul3A_489 : i32
        %add3A_491 = arith.constant 352 : i32
        %add3A_492 = arith.addi %mul3A_490, %add3A_491 : i32
        %get3A_493 = arith.index_cast %add3A_492 : i32 to index
        %get3A_494 = tpu.vector_load %arg7[%get3A_493] {strides = array<i32>} : memref<32768xf32, #tpu.memory_space<vmem>>, vector<16xf32>,
        %mul3A_495 = arith.constant 512 : i32
        %mul3A_496 = arith.muli %scan3A_355, %mul3A_495 : i32
        %add3A_497 = arith.constant 368 : i32
        %add3A_498 = arith.addi %mul3A_496, %add3A_497 : i32
        %get3A_499 = arith.index_cast %add3A_498 : i32 to index
        %get3A_500 = tpu.vector_load %arg7[%get3A_499] {strides = array<i32>} : memref<32768xf32, #tpu.memory_space<vmem>>, vector<16xf32>,
        %mul3A_501 = arith.constant 512 : i32
        %mul3A_502 = arith.muli %scan3A_355, %mul3A_501 : i32
        %add3A_503 = arith.constant 384 : i32
        %add3A_504 = arith.addi %mul3A_502, %add3A_503 : i32
        %get3A_505 = arith.index_cast %add3A_504 : i32 to index
        %get3A_506 = tpu.vector_load %arg7[%get3A_505] {strides = array<i32>} : memref<32768xf32, #tpu.memory_space<vmem>>, vector<16xf32>,
        %mul3A_507 = arith.constant 512 : i32
        %mul3A_508 = arith.muli %scan3A_355, %mul3A_507 : i32
        %add3A_509 = arith.constant 400 : i32
        %add3A_510 = arith.addi %mul3A_508, %add3A_509 : i32
        %get3A_511 = arith.index_cast %add3A_510 : i32 to index
        %get3A_512 = tpu.vector_load %arg7[%get3A_511] {strides = array<i32>} : memref<32768xf32, #tpu.memory_space<vmem>>, vector<16xf32>,
        %mul3A_513 = arith.constant 512 : i32
        %mul3A_514 = arith.muli %scan3A_355, %mul3A_513 : i32
        %add3A_515 = arith.constant 416 : i32
        %add3A_516 = arith.addi %mul3A_514, %add3A_515 : i32
        %get3A_517 = arith.index_cast %add3A_516 : i32 to index
        %get3A_518 = tpu.vector_load %arg7[%get3A_517] {strides = array<i32>} : memref<32768xf32, #tpu.memory_space<vmem>>, vector<16xf32>,
        %mul3A_519 = arith.constant 512 : i32
        %mul3A_520 = arith.muli %scan3A_355, %mul3A_519 : i32
        %add3A_521 = arith.constant 432 : i32
        %add3A_522 = arith.addi %mul3A_520, %add3A_521 : i32
        %get3A_523 = arith.index_cast %add3A_522 : i32 to index
        %get3A_524 = tpu.vector_load %arg7[%get3A_523] {strides = array<i32>} : memref<32768xf32, #tpu.memory_space<vmem>>, vector<16xf32>,
        %mul3A_525 = arith.constant 512 : i32
        %mul3A_526 = arith.muli %scan3A_355, %mul3A_525 : i32
        %add3A_527 = arith.constant 448 : i32
        %add3A_528 = arith.addi %mul3A_526, %add3A_527 : i32
        %get3A_529 = arith.index_cast %add3A_528 : i32 to index
        %get3A_530 = tpu.vector_load %arg7[%get3A_529] {strides = array<i32>} : memref<32768xf32, #tpu.memory_space<vmem>>, vector<16xf32>,
        %mul3A_531 = arith.constant 512 : i32
        %mul3A_532 = arith.muli %scan3A_355, %mul3A_531 : i32
        %add3A_533 = arith.constant 464 : i32
        %add3A_534 = arith.addi %mul3A_532, %add3A_533 : i32
        %get3A_535 = arith.index_cast %add3A_534 : i32 to index
        %get3A_536 = tpu.vector_load %arg7[%get3A_535] {strides = array<i32>} : memref<32768xf32, #tpu.memory_space<vmem>>, vector<16xf32>,
        %mul3A_537 = arith.constant 512 : i32
        %mul3A_538 = arith.muli %scan3A_355, %mul3A_537 : i32
        %add3A_539 = arith.constant 480 : i32
        %add3A_540 = arith.addi %mul3A_538, %add3A_539 : i32
        %get3A_541 = arith.index_cast %add3A_540 : i32 to index
        %get3A_542 = tpu.vector_load %arg7[%get3A_541] {strides = array<i32>} : memref<32768xf32, #tpu.memory_space<vmem>>, vector<16xf32>,
        %mul3A_543 = arith.constant 512 : i32
        %mul3A_544 = arith.muli %scan3A_355, %mul3A_543 : i32
        %add3A_545 = arith.constant 496 : i32
        %add3A_546 = arith.addi %mul3A_544, %add3A_545 : i32
        %get3A_547 = arith.index_cast %add3A_546 : i32 to index
        %get3A_548 = tpu.vector_load %arg7[%get3A_547] {strides = array<i32>} : memref<32768xf32, #tpu.memory_space<vmem>>, vector<16xf32>,
        %max3A = arith.maximumf %get3A_362, %get3A_368 : vector<16xf32>
        %max3A_549 = arith.maximumf %get3A_374, %get3A_380 : vector<16xf32>
        %max3A_550 = arith.maximumf %get3A_386, %get3A_392 : vector<16xf32>
        %max3A_551 = arith.maximumf %get3A_398, %get3A_404 : vector<16xf32>
        %max3A_552 = arith.maximumf %get3A_410, %get3A_416 : vector<16xf32>
        %max3A_553 = arith.maximumf %get3A_422, %get3A_428 : vector<16xf32>
        %max3A_554 = arith.maximumf %get3A_434, %get3A_440 : vector<16xf32>
        %max3A_555 = arith.maximumf %get3A_446, %get3A_452 : vector<16xf32>
        %max3A_556 = arith.maximumf %get3A_458, %get3A_464 : vector<16xf32>
        %max3A_557 = arith.maximumf %get3A_470, %get3A_476 : vector<16xf32>
        %max3A_558 = arith.maximumf %get3A_482, %get3A_488 : vector<16xf32>
        %max3A_559 = arith.maximumf %get3A_494, %get3A_500 : vector<16xf32>
        %max3A_560 = arith.maximumf %get3A_506, %get3A_512 : vector<16xf32>
        %max3A_561 = arith.maximumf %get3A_518, %get3A_524 : vector<16xf32>
        %max3A_562 = arith.maximumf %get3A_530, %get3A_536 : vector<16xf32>
        %max3A_563 = arith.maximumf %get3A_542, %get3A_548 : vector<16xf32>
        %max3A_564 = arith.maximumf %max3A, %max3A_549 : vector<16xf32>
        %max3A_565 = arith.maximumf %max3A_550, %max3A_551 : vector<16xf32>
        %max3A_566 = arith.maximumf %max3A_552, %max3A_553 : vector<16xf32>
        %max3A_567 = arith.maximumf %max3A_554, %max3A_555 : vector<16xf32>
        %max3A_568 = arith.maximumf %max3A_556, %max3A_557 : vector<16xf32>
        %max3A_569 = arith.maximumf %max3A_558, %max3A_559 : vector<16xf32>
        %max3A_570 = arith.maximumf %max3A_560, %max3A_561 : vector<16xf32>
        %max3A_571 = arith.maximumf %max3A_562, %max3A_563 : vector<16xf32>
        %max3A_572 = arith.maximumf %max3A_564, %max3A_565 : vector<16xf32>
        %max3A_573 = arith.maximumf %max3A_566, %max3A_567 : vector<16xf32>
        %max3A_574 = arith.maximumf %max3A_568, %max3A_569 : vector<16xf32>
        %max3A_575 = arith.maximumf %max3A_570, %max3A_571 : vector<16xf32>
        %max3A_576 = arith.maximumf %max3A_572, %max3A_573 : vector<16xf32>
        %max3A_577 = arith.maximumf %max3A_574, %max3A_575 : vector<16xf32>
        %max3A_578 = arith.maximumf %max3A_576, %max3A_577 : vector<16xf32>
        %gt3A = vector.broadcast %scan3A_356 : f32 to vector<16xf32>
        %gt3A_579 = arith.cmpf ogt, %max3A_578, %gt3A : vector<16xf32>
        %reduce_or3A = arith.constant 1.000000e+00 : f32
        %reduce_or3A_580 = arith.constant 0.000000e+00 : f32
        %reduce_or3A_581 = vector.broadcast %reduce_or3A : f32 to vector<16xf32>
        %reduce_or3A_582 = vector.broadcast %reduce_or3A_580 : f32 to vector<16xf32>
        %reduce_or3A_583 = arith.select %gt3A_579, %reduce_or3A_581, %reduce_or3A_582 : vector<16xi1>, vector<16xf32>
        %reduce_or3A_584 = arith.constant true
        %reduce_or3A_585 = vector.broadcast %reduce_or3A_584 : i1 to vector<16xi1>
        %reduce_or3A_586 = tpu.scan <max>, %reduce_or3A_583 masked %reduce_or3A_585 : vector<16xf32>, vector<16xi1> -> vector<16xf32>
        %reduce_or3A_587 = vector.extract %reduce_or3A_586[15] : f32 from vector<16xf32>
        %reduce_or3A_588 = arith.constant 0.000000e+00 : f32
        %reduce_or3A_589 = arith.cmpf ogt, %reduce_or3A_587, %reduce_or3A_588 : f32
        %convert_element_type3A = arith.extui %reduce_or3A_589 : i1 to i32
        %cond3A = arith.constant 0 : i32
        %cond3A_590 = arith.cmpi ne, %convert_element_type3A, %cond3A : i32
        %cond3A_591 = scf.if %cond3A_590 -> (f32) {
          %mul3A_592 = arith.constant 512 : i32
          %mul3A_593 = arith.muli %scan3A_355, %mul3A_592 : i32
          %add3A_594 = arith.addi %mul3A_348, %mul3A_593 : i32
          %scan3A_595 = arith.constant 0 : i32
          %scan3A_596 = arith.constant 0 : i32
          %scan3A_597 = arith.constant 4 : i32
          %scan3A_598 = arith.addi %scan3A_596, %scan3A_597 : i32
          %scan3A_599 = arith.constant 1 : i32
          %scan3A_600 = scf.for %scan3A_613 = %scan3A_596 to %scan3A_598 step %scan3A_599 iter_args(%scan3A_614 = %scan3A_595) -> (i32)  : i32 {
            %mul3A_615 = arith.constant 512 : i32
            %mul3A_616 = arith.muli %scan3A_355, %mul3A_615 : i32
            %mul3A_617 = arith.constant 128 : i32
            %mul3A_618 = arith.muli %scan3A_613, %mul3A_617 : i32
            %add3A_619 = arith.addi %mul3A_616, %mul3A_618 : i32
            %add3A_620 = arith.constant 0 : i32
            %add3A_621 = arith.addi %add3A_619, %add3A_620 : i32
            %get3A_622 = arith.index_cast %add3A_621 : i32 to index
            %get3A_623 = tpu.vector_load %arg7[%get3A_622] {strides = array<i32>} : memref<32768xf32, #tpu.memory_space<vmem>>, vector<16xf32>,
            %add3A_624 = arith.constant 16 : i32
            %add3A_625 = arith.addi %add3A_619, %add3A_624 : i32
            %get3A_626 = arith.index_cast %add3A_625 : i32 to index
            %get3A_627 = tpu.vector_load %arg7[%get3A_626] {strides = array<i32>} : memref<32768xf32, #tpu.memory_space<vmem>>, vector<16xf32>,
            %add3A_628 = arith.constant 32 : i32
            %add3A_629 = arith.addi %add3A_619, %add3A_628 : i32
            %get3A_630 = arith.index_cast %add3A_629 : i32 to index
            %get3A_631 = tpu.vector_load %arg7[%get3A_630] {strides = array<i32>} : memref<32768xf32, #tpu.memory_space<vmem>>, vector<16xf32>,
            %add3A_632 = arith.constant 48 : i32
            %add3A_633 = arith.addi %add3A_619, %add3A_632 : i32
            %get3A_634 = arith.index_cast %add3A_633 : i32 to index
            %get3A_635 = tpu.vector_load %arg7[%get3A_634] {strides = array<i32>} : memref<32768xf32, #tpu.memory_space<vmem>>, vector<16xf32>,
            %add3A_636 = arith.constant 64 : i32
            %add3A_637 = arith.addi %add3A_619, %add3A_636 : i32
            %get3A_638 = arith.index_cast %add3A_637 : i32 to index
            %get3A_639 = tpu.vector_load %arg7[%get3A_638] {strides = array<i32>} : memref<32768xf32, #tpu.memory_space<vmem>>, vector<16xf32>,
            %add3A_640 = arith.constant 80 : i32
            %add3A_641 = arith.addi %add3A_619, %add3A_640 : i32
            %get3A_642 = arith.index_cast %add3A_641 : i32 to index
            %get3A_643 = tpu.vector_load %arg7[%get3A_642] {strides = array<i32>} : memref<32768xf32, #tpu.memory_space<vmem>>, vector<16xf32>,
            %add3A_644 = arith.constant 96 : i32
            %add3A_645 = arith.addi %add3A_619, %add3A_644 : i32
            %get3A_646 = arith.index_cast %add3A_645 : i32 to index
            %get3A_647 = tpu.vector_load %arg7[%get3A_646] {strides = array<i32>} : memref<32768xf32, #tpu.memory_space<vmem>>, vector<16xf32>,
            %add3A_648 = arith.constant 112 : i32
            %add3A_649 = arith.addi %add3A_619, %add3A_648 : i32
            %get3A_650 = arith.index_cast %add3A_649 : i32 to index
            %get3A_651 = tpu.vector_load %arg7[%get3A_650] {strides = array<i32>} : memref<32768xf32, #tpu.memory_space<vmem>>, vector<16xf32>,
            %max3A_652 = arith.maximumf %get3A_623, %get3A_627 : vector<16xf32>
            %max3A_653 = arith.maximumf %get3A_631, %get3A_635 : vector<16xf32>
            %max3A_654 = arith.maximumf %get3A_639, %get3A_643 : vector<16xf32>
            %max3A_655 = arith.maximumf %get3A_647, %get3A_651 : vector<16xf32>
            %max3A_656 = arith.maximumf %max3A_652, %max3A_653 : vector<16xf32>
            %max3A_657 = arith.maximumf %max3A_654, %max3A_655 : vector<16xf32>
            %max3A_658 = arith.maximumf %max3A_656, %max3A_657 : vector<16xf32>
            %gt3A_659 = vector.broadcast %scan3A_356 : f32 to vector<16xf32>
            %gt3A_660 = arith.cmpf ogt, %max3A_658, %gt3A_659 : vector<16xf32>
            %reduce_or3A_661 = arith.constant 1.000000e+00 : f32
            %reduce_or3A_662 = arith.constant 0.000000e+00 : f32
            %reduce_or3A_663 = vector.broadcast %reduce_or3A_661 : f32 to vector<16xf32>
            %reduce_or3A_664 = vector.broadcast %reduce_or3A_662 : f32 to vector<16xf32>
            %reduce_or3A_665 = arith.select %gt3A_660, %reduce_or3A_663, %reduce_or3A_664 : vector<16xi1>, vector<16xf32>
            %reduce_or3A_666 = arith.constant true
            %reduce_or3A_667 = vector.broadcast %reduce_or3A_666 : i1 to vector<16xi1>
            %reduce_or3A_668 = tpu.scan <max>, %reduce_or3A_665 masked %reduce_or3A_667 : vector<16xf32>, vector<16xi1> -> vector<16xf32>
            %reduce_or3A_669 = vector.extract %reduce_or3A_668[15] : f32 from vector<16xf32>
            %reduce_or3A_670 = arith.constant 0.000000e+00 : f32
            %reduce_or3A_671 = arith.cmpf ogt, %reduce_or3A_669, %reduce_or3A_670 : f32
            %convert_element_type3A_672 = arith.extui %reduce_or3A_671 : i1 to i32
            %cond3A_673 = arith.constant 0 : i32
            %cond3A_674 = arith.cmpi ne, %convert_element_type3A_672, %cond3A_673 : i32
            scf.if %cond3A_674 {
              %get3A_676 = arith.constant 0 : i32
              %get3A_677 = arith.index_cast %get3A_676 : i32 to index
              %get3A_678 = memref.load %arg16[%get3A_677] : memref<1xi32, #tpu.memory_space<smem>>
              %gt3A_679 = vector.broadcast %scan3A_356 : f32 to vector<16xf32>
              %gt3A_680 = arith.cmpf ogt, %get3A_623, %gt3A_679 : vector<16xf32>
              %swap3A_681 = arith.index_cast %get3A_678 : i32 to index
              %swap3A_682 = tpu.vector_load %arg8[%swap3A_681] masked %gt3A_680 {strides = array<i32>} : memref<2576xf32, #tpu.memory_space<vmem>>, vector<16xf32>, vector<16xi1>
              tpu.vector_store %arg8[%swap3A_681], %get3A_623 masked %gt3A_680 {strides = array<i32>} : memref<2576xf32, #tpu.memory_space<vmem>>, vector<16xf32>, vector<16xi1>
              %mul3A_683 = arith.constant 128 : i32
              %mul3A_684 = arith.muli %scan3A_613, %mul3A_683 : i32
              %add3A_685 = arith.addi %add3A_594, %mul3A_684 : i32
              %add3A_686 = arith.constant 0 : i32
              %add3A_687 = arith.addi %add3A_685, %add3A_686 : i32
              %add3A_688 = vector.broadcast %add3A_687 : i32 to vector<16xi32>
              %add3A_689 = arith.addi %add3A_688, %iota3A : vector<16xi32>
              %swap3A_690 = arith.index_cast %get3A_678 : i32 to index
              %swap3A_691 = tpu.vector_load %arg9[%swap3A_690] masked %gt3A_680 {strides = array<i32>} : memref<2576xi32, #tpu.memory_space<vmem>>, vector<16xi32>, vector<16xi1>
              tpu.vector_store %arg9[%swap3A_690], %add3A_689 masked %gt3A_680 {strides = array<i32>} : memref<2576xi32, #tpu.memory_space<vmem>>, vector<16xi32>, vector<16xi1>
              %all_reduce_population_count3A = tpu.all_reduce %gt3A_680 {dim = 0 : i64, kind = #tpu.reduction_kind<sum>} : vector<16xi1> -> vector<16xi32>
              %reduce_max3A_692 = arith.constant true
              %reduce_max3A_693 = vector.broadcast %reduce_max3A_692 : i1 to vector<16xi1>
              %reduce_max3A_694 = arith.constant -2147483648 : i32
              %reduce_max3A_695 = vector.broadcast %reduce_max3A_694 : i32 to vector<16xi32>
              %reduce_max3A_696 = arith.xori %all_reduce_population_count3A, %reduce_max3A_695 : vector<16xi32>
              %reduce_max3A_697 = tpu.scan <max>, %reduce_max3A_696 masked %reduce_max3A_693 : vector<16xi32>, vector<16xi1> -> vector<16xi32>
              %reduce_max3A_698 = arith.xori %reduce_max3A_697, %reduce_max3A_695 : vector<16xi32>
              %reduce_max3A_699 = vector.extract %reduce_max3A_698[15] : i32 from vector<16xi32>
              %add3A_700 = arith.addi %get3A_678, %reduce_max3A_699 : i32
              %gt3A_701 = vector.broadcast %scan3A_356 : f32 to vector<16xf32>
              %gt3A_702 = arith.cmpf ogt, %get3A_627, %gt3A_701 : vector<16xf32>
              %swap3A_703 = arith.index_cast %add3A_700 : i32 to index
              %swap3A_704 = tpu.vector_load %arg8[%swap3A_703] masked %gt3A_702 {strides = array<i32>} : memref<2576xf32, #tpu.memory_space<vmem>>, vector<16xf32>, vector<16xi1>
              tpu.vector_store %arg8[%swap3A_703], %get3A_627 masked %gt3A_702 {strides = array<i32>} : memref<2576xf32, #tpu.memory_space<vmem>>, vector<16xf32>, vector<16xi1>
              %mul3A_705 = arith.constant 128 : i32
              %mul3A_706 = arith.muli %scan3A_613, %mul3A_705 : i32
              %add3A_707 = arith.addi %add3A_594, %mul3A_706 : i32
              %add3A_708 = arith.constant 16 : i32
              %add3A_709 = arith.addi %add3A_707, %add3A_708 : i32
              %add3A_710 = vector.broadcast %add3A_709 : i32 to vector<16xi32>
              %add3A_711 = arith.addi %add3A_710, %iota3A : vector<16xi32>
              %swap3A_712 = arith.index_cast %add3A_700 : i32 to index
              %swap3A_713 = tpu.vector_load %arg9[%swap3A_712] masked %gt3A_702 {strides = array<i32>} : memref<2576xi32, #tpu.memory_space<vmem>>, vector<16xi32>, vector<16xi1>
              tpu.vector_store %arg9[%swap3A_712], %add3A_711 masked %gt3A_702 {strides = array<i32>} : memref<2576xi32, #tpu.memory_space<vmem>>, vector<16xi32>, vector<16xi1>
              %all_reduce_population_count3A_714 = tpu.all_reduce %gt3A_702 {dim = 0 : i64, kind = #tpu.reduction_kind<sum>} : vector<16xi1> -> vector<16xi32>
              %reduce_max3A_715 = arith.constant true
              %reduce_max3A_716 = vector.broadcast %reduce_max3A_715 : i1 to vector<16xi1>
              %reduce_max3A_717 = arith.constant -2147483648 : i32
              %reduce_max3A_718 = vector.broadcast %reduce_max3A_717 : i32 to vector<16xi32>
              %reduce_max3A_719 = arith.xori %all_reduce_population_count3A_714, %reduce_max3A_718 : vector<16xi32>
              %reduce_max3A_720 = tpu.scan <max>, %reduce_max3A_719 masked %reduce_max3A_716 : vector<16xi32>, vector<16xi1> -> vector<16xi32>
              %reduce_max3A_721 = arith.xori %reduce_max3A_720, %reduce_max3A_718 : vector<16xi32>
              %reduce_max3A_722 = vector.extract %reduce_max3A_721[15] : i32 from vector<16xi32>
              %add3A_723 = arith.addi %add3A_700, %reduce_max3A_722 : i32
              %gt3A_724 = vector.broadcast %scan3A_356 : f32 to vector<16xf32>
              %gt3A_725 = arith.cmpf ogt, %get3A_631, %gt3A_724 : vector<16xf32>
              %swap3A_726 = arith.index_cast %add3A_723 : i32 to index
              %swap3A_727 = tpu.vector_load %arg8[%swap3A_726] masked %gt3A_725 {strides = array<i32>} : memref<2576xf32, #tpu.memory_space<vmem>>, vector<16xf32>, vector<16xi1>
              tpu.vector_store %arg8[%swap3A_726], %get3A_631 masked %gt3A_725 {strides = array<i32>} : memref<2576xf32, #tpu.memory_space<vmem>>, vector<16xf32>, vector<16xi1>
              %mul3A_728 = arith.constant 128 : i32
              %mul3A_729 = arith.muli %scan3A_613, %mul3A_728 : i32
              %add3A_730 = arith.addi %add3A_594, %mul3A_729 : i32
              %add3A_731 = arith.constant 32 : i32
              %add3A_732 = arith.addi %add3A_730, %add3A_731 : i32
              %add3A_733 = vector.broadcast %add3A_732 : i32 to vector<16xi32>
              %add3A_734 = arith.addi %add3A_733, %iota3A : vector<16xi32>
              %swap3A_735 = arith.index_cast %add3A_723 : i32 to index
              %swap3A_736 = tpu.vector_load %arg9[%swap3A_735] masked %gt3A_725 {strides = array<i32>} : memref<2576xi32, #tpu.memory_space<vmem>>, vector<16xi32>, vector<16xi1>
              tpu.vector_store %arg9[%swap3A_735], %add3A_734 masked %gt3A_725 {strides = array<i32>} : memref<2576xi32, #tpu.memory_space<vmem>>, vector<16xi32>, vector<16xi1>
              %all_reduce_population_count3A_737 = tpu.all_reduce %gt3A_725 {dim = 0 : i64, kind = #tpu.reduction_kind<sum>} : vector<16xi1> -> vector<16xi32>
              %reduce_max3A_738 = arith.constant true
              %reduce_max3A_739 = vector.broadcast %reduce_max3A_738 : i1 to vector<16xi1>
              %reduce_max3A_740 = arith.constant -2147483648 : i32
              %reduce_max3A_741 = vector.broadcast %reduce_max3A_740 : i32 to vector<16xi32>
              %reduce_max3A_742 = arith.xori %all_reduce_population_count3A_737, %reduce_max3A_741 : vector<16xi32>
              %reduce_max3A_743 = tpu.scan <max>, %reduce_max3A_742 masked %reduce_max3A_739 : vector<16xi32>, vector<16xi1> -> vector<16xi32>
              %reduce_max3A_744 = arith.xori %reduce_max3A_743, %reduce_max3A_741 : vector<16xi32>
              %reduce_max3A_745 = vector.extract %reduce_max3A_744[15] : i32 from vector<16xi32>
              %add3A_746 = arith.addi %add3A_723, %reduce_max3A_745 : i32
              %gt3A_747 = vector.broadcast %scan3A_356 : f32 to vector<16xf32>
              %gt3A_748 = arith.cmpf ogt, %get3A_635, %gt3A_747 : vector<16xf32>
              %swap3A_749 = arith.index_cast %add3A_746 : i32 to index
              %swap3A_750 = tpu.vector_load %arg8[%swap3A_749] masked %gt3A_748 {strides = array<i32>} : memref<2576xf32, #tpu.memory_space<vmem>>, vector<16xf32>, vector<16xi1>
              tpu.vector_store %arg8[%swap3A_749], %get3A_635 masked %gt3A_748 {strides = array<i32>} : memref<2576xf32, #tpu.memory_space<vmem>>, vector<16xf32>, vector<16xi1>
              %mul3A_751 = arith.constant 128 : i32
              %mul3A_752 = arith.muli %scan3A_613, %mul3A_751 : i32
              %add3A_753 = arith.addi %add3A_594, %mul3A_752 : i32
              %add3A_754 = arith.constant 48 : i32
              %add3A_755 = arith.addi %add3A_753, %add3A_754 : i32
              %add3A_756 = vector.broadcast %add3A_755 : i32 to vector<16xi32>
              %add3A_757 = arith.addi %add3A_756, %iota3A : vector<16xi32>
              %swap3A_758 = arith.index_cast %add3A_746 : i32 to index
              %swap3A_759 = tpu.vector_load %arg9[%swap3A_758] masked %gt3A_748 {strides = array<i32>} : memref<2576xi32, #tpu.memory_space<vmem>>, vector<16xi32>, vector<16xi1>
              tpu.vector_store %arg9[%swap3A_758], %add3A_757 masked %gt3A_748 {strides = array<i32>} : memref<2576xi32, #tpu.memory_space<vmem>>, vector<16xi32>, vector<16xi1>
              %all_reduce_population_count3A_760 = tpu.all_reduce %gt3A_748 {dim = 0 : i64, kind = #tpu.reduction_kind<sum>} : vector<16xi1> -> vector<16xi32>
              %reduce_max3A_761 = arith.constant true
              %reduce_max3A_762 = vector.broadcast %reduce_max3A_761 : i1 to vector<16xi1>
              %reduce_max3A_763 = arith.constant -2147483648 : i32
              %reduce_max3A_764 = vector.broadcast %reduce_max3A_763 : i32 to vector<16xi32>
              %reduce_max3A_765 = arith.xori %all_reduce_population_count3A_760, %reduce_max3A_764 : vector<16xi32>
              %reduce_max3A_766 = tpu.scan <max>, %reduce_max3A_765 masked %reduce_max3A_762 : vector<16xi32>, vector<16xi1> -> vector<16xi32>
              %reduce_max3A_767 = arith.xori %reduce_max3A_766, %reduce_max3A_764 : vector<16xi32>
              %reduce_max3A_768 = vector.extract %reduce_max3A_767[15] : i32 from vector<16xi32>
              %add3A_769 = arith.addi %add3A_746, %reduce_max3A_768 : i32
              %gt3A_770 = vector.broadcast %scan3A_356 : f32 to vector<16xf32>
              %gt3A_771 = arith.cmpf ogt, %get3A_639, %gt3A_770 : vector<16xf32>
              %swap3A_772 = arith.index_cast %add3A_769 : i32 to index
              %swap3A_773 = tpu.vector_load %arg8[%swap3A_772] masked %gt3A_771 {strides = array<i32>} : memref<2576xf32, #tpu.memory_space<vmem>>, vector<16xf32>, vector<16xi1>
              tpu.vector_store %arg8[%swap3A_772], %get3A_639 masked %gt3A_771 {strides = array<i32>} : memref<2576xf32, #tpu.memory_space<vmem>>, vector<16xf32>, vector<16xi1>
              %mul3A_774 = arith.constant 128 : i32
              %mul3A_775 = arith.muli %scan3A_613, %mul3A_774 : i32
              %add3A_776 = arith.addi %add3A_594, %mul3A_775 : i32
              %add3A_777 = arith.constant 64 : i32
              %add3A_778 = arith.addi %add3A_776, %add3A_777 : i32
              %add3A_779 = vector.broadcast %add3A_778 : i32 to vector<16xi32>
              %add3A_780 = arith.addi %add3A_779, %iota3A : vector<16xi32>
              %swap3A_781 = arith.index_cast %add3A_769 : i32 to index
              %swap3A_782 = tpu.vector_load %arg9[%swap3A_781] masked %gt3A_771 {strides = array<i32>} : memref<2576xi32, #tpu.memory_space<vmem>>, vector<16xi32>, vector<16xi1>
              tpu.vector_store %arg9[%swap3A_781], %add3A_780 masked %gt3A_771 {strides = array<i32>} : memref<2576xi32, #tpu.memory_space<vmem>>, vector<16xi32>, vector<16xi1>
              %all_reduce_population_count3A_783 = tpu.all_reduce %gt3A_771 {dim = 0 : i64, kind = #tpu.reduction_kind<sum>} : vector<16xi1> -> vector<16xi32>
              %reduce_max3A_784 = arith.constant true
              %reduce_max3A_785 = vector.broadcast %reduce_max3A_784 : i1 to vector<16xi1>
              %reduce_max3A_786 = arith.constant -2147483648 : i32
              %reduce_max3A_787 = vector.broadcast %reduce_max3A_786 : i32 to vector<16xi32>
              %reduce_max3A_788 = arith.xori %all_reduce_population_count3A_783, %reduce_max3A_787 : vector<16xi32>
              %reduce_max3A_789 = tpu.scan <max>, %reduce_max3A_788 masked %reduce_max3A_785 : vector<16xi32>, vector<16xi1> -> vector<16xi32>
              %reduce_max3A_790 = arith.xori %reduce_max3A_789, %reduce_max3A_787 : vector<16xi32>
              %reduce_max3A_791 = vector.extract %reduce_max3A_790[15] : i32 from vector<16xi32>
              %add3A_792 = arith.addi %add3A_769, %reduce_max3A_791 : i32
              %gt3A_793 = vector.broadcast %scan3A_356 : f32 to vector<16xf32>
              %gt3A_794 = arith.cmpf ogt, %get3A_643, %gt3A_793 : vector<16xf32>
              %swap3A_795 = arith.index_cast %add3A_792 : i32 to index
              %swap3A_796 = tpu.vector_load %arg8[%swap3A_795] masked %gt3A_794 {strides = array<i32>} : memref<2576xf32, #tpu.memory_space<vmem>>, vector<16xf32>, vector<16xi1>
              tpu.vector_store %arg8[%swap3A_795], %get3A_643 masked %gt3A_794 {strides = array<i32>} : memref<2576xf32, #tpu.memory_space<vmem>>, vector<16xf32>, vector<16xi1>
              %mul3A_797 = arith.constant 128 : i32
              %mul3A_798 = arith.muli %scan3A_613, %mul3A_797 : i32
              %add3A_799 = arith.addi %add3A_594, %mul3A_798 : i32
              %add3A_800 = arith.constant 80 : i32
              %add3A_801 = arith.addi %add3A_799, %add3A_800 : i32
              %add3A_802 = vector.broadcast %add3A_801 : i32 to vector<16xi32>
              %add3A_803 = arith.addi %add3A_802, %iota3A : vector<16xi32>
              %swap3A_804 = arith.index_cast %add3A_792 : i32 to index
              %swap3A_805 = tpu.vector_load %arg9[%swap3A_804] masked %gt3A_794 {strides = array<i32>} : memref<2576xi32, #tpu.memory_space<vmem>>, vector<16xi32>, vector<16xi1>
              tpu.vector_store %arg9[%swap3A_804], %add3A_803 masked %gt3A_794 {strides = array<i32>} : memref<2576xi32, #tpu.memory_space<vmem>>, vector<16xi32>, vector<16xi1>
              %all_reduce_population_count3A_806 = tpu.all_reduce %gt3A_794 {dim = 0 : i64, kind = #tpu.reduction_kind<sum>} : vector<16xi1> -> vector<16xi32>
              %reduce_max3A_807 = arith.constant true
              %reduce_max3A_808 = vector.broadcast %reduce_max3A_807 : i1 to vector<16xi1>
              %reduce_max3A_809 = arith.constant -2147483648 : i32
              %reduce_max3A_810 = vector.broadcast %reduce_max3A_809 : i32 to vector<16xi32>
              %reduce_max3A_811 = arith.xori %all_reduce_population_count3A_806, %reduce_max3A_810 : vector<16xi32>
              %reduce_max3A_812 = tpu.scan <max>, %reduce_max3A_811 masked %reduce_max3A_808 : vector<16xi32>, vector<16xi1> -> vector<16xi32>
              %reduce_max3A_813 = arith.xori %reduce_max3A_812, %reduce_max3A_810 : vector<16xi32>
              %reduce_max3A_814 = vector.extract %reduce_max3A_813[15] : i32 from vector<16xi32>
              %add3A_815 = arith.addi %add3A_792, %reduce_max3A_814 : i32
              %gt3A_816 = vector.broadcast %scan3A_356 : f32 to vector<16xf32>
              %gt3A_817 = arith.cmpf ogt, %get3A_647, %gt3A_816 : vector<16xf32>
              %swap3A_818 = arith.index_cast %add3A_815 : i32 to index
              %swap3A_819 = tpu.vector_load %arg8[%swap3A_818] masked %gt3A_817 {strides = array<i32>} : memref<2576xf32, #tpu.memory_space<vmem>>, vector<16xf32>, vector<16xi1>
              tpu.vector_store %arg8[%swap3A_818], %get3A_647 masked %gt3A_817 {strides = array<i32>} : memref<2576xf32, #tpu.memory_space<vmem>>, vector<16xf32>, vector<16xi1>
              %mul3A_820 = arith.constant 128 : i32
              %mul3A_821 = arith.muli %scan3A_613, %mul3A_820 : i32
              %add3A_822 = arith.addi %add3A_594, %mul3A_821 : i32
              %add3A_823 = arith.constant 96 : i32
              %add3A_824 = arith.addi %add3A_822, %add3A_823 : i32
              %add3A_825 = vector.broadcast %add3A_824 : i32 to vector<16xi32>
              %add3A_826 = arith.addi %add3A_825, %iota3A : vector<16xi32>
              %swap3A_827 = arith.index_cast %add3A_815 : i32 to index
              %swap3A_828 = tpu.vector_load %arg9[%swap3A_827] masked %gt3A_817 {strides = array<i32>} : memref<2576xi32, #tpu.memory_space<vmem>>, vector<16xi32>, vector<16xi1>
              tpu.vector_store %arg9[%swap3A_827], %add3A_826 masked %gt3A_817 {strides = array<i32>} : memref<2576xi32, #tpu.memory_space<vmem>>, vector<16xi32>, vector<16xi1>
              %all_reduce_population_count3A_829 = tpu.all_reduce %gt3A_817 {dim = 0 : i64, kind = #tpu.reduction_kind<sum>} : vector<16xi1> -> vector<16xi32>
              %reduce_max3A_830 = arith.constant true
              %reduce_max3A_831 = vector.broadcast %reduce_max3A_830 : i1 to vector<16xi1>
              %reduce_max3A_832 = arith.constant -2147483648 : i32
              %reduce_max3A_833 = vector.broadcast %reduce_max3A_832 : i32 to vector<16xi32>
              %reduce_max3A_834 = arith.xori %all_reduce_population_count3A_829, %reduce_max3A_833 : vector<16xi32>
              %reduce_max3A_835 = tpu.scan <max>, %reduce_max3A_834 masked %reduce_max3A_831 : vector<16xi32>, vector<16xi1> -> vector<16xi32>
              %reduce_max3A_836 = arith.xori %reduce_max3A_835, %reduce_max3A_833 : vector<16xi32>
              %reduce_max3A_837 = vector.extract %reduce_max3A_836[15] : i32 from vector<16xi32>
              %add3A_838 = arith.addi %add3A_815, %reduce_max3A_837 : i32
              %gt3A_839 = vector.broadcast %scan3A_356 : f32 to vector<16xf32>
              %gt3A_840 = arith.cmpf ogt, %get3A_651, %gt3A_839 : vector<16xf32>
              %swap3A_841 = arith.index_cast %add3A_838 : i32 to index
              %swap3A_842 = tpu.vector_load %arg8[%swap3A_841] masked %gt3A_840 {strides = array<i32>} : memref<2576xf32, #tpu.memory_space<vmem>>, vector<16xf32>, vector<16xi1>
              tpu.vector_store %arg8[%swap3A_841], %get3A_651 masked %gt3A_840 {strides = array<i32>} : memref<2576xf32, #tpu.memory_space<vmem>>, vector<16xf32>, vector<16xi1>
              %mul3A_843 = arith.constant 128 : i32
              %mul3A_844 = arith.muli %scan3A_613, %mul3A_843 : i32
              %add3A_845 = arith.addi %add3A_594, %mul3A_844 : i32
              %add3A_846 = arith.constant 112 : i32
              %add3A_847 = arith.addi %add3A_845, %add3A_846 : i32
              %add3A_848 = vector.broadcast %add3A_847 : i32 to vector<16xi32>
              %add3A_849 = arith.addi %add3A_848, %iota3A : vector<16xi32>
              %swap3A_850 = arith.index_cast %add3A_838 : i32 to index
              %swap3A_851 = tpu.vector_load %arg9[%swap3A_850] masked %gt3A_840 {strides = array<i32>} : memref<2576xi32, #tpu.memory_space<vmem>>, vector<16xi32>, vector<16xi1>
              tpu.vector_store %arg9[%swap3A_850], %add3A_849 masked %gt3A_840 {strides = array<i32>} : memref<2576xi32, #tpu.memory_space<vmem>>, vector<16xi32>, vector<16xi1>
              %all_reduce_population_count3A_852 = tpu.all_reduce %gt3A_840 {dim = 0 : i64, kind = #tpu.reduction_kind<sum>} : vector<16xi1> -> vector<16xi32>
              %reduce_max3A_853 = arith.constant true
              %reduce_max3A_854 = vector.broadcast %reduce_max3A_853 : i1 to vector<16xi1>
              %reduce_max3A_855 = arith.constant -2147483648 : i32
              %reduce_max3A_856 = vector.broadcast %reduce_max3A_855 : i32 to vector<16xi32>
              %reduce_max3A_857 = arith.xori %all_reduce_population_count3A_852, %reduce_max3A_856 : vector<16xi32>
              %reduce_max3A_858 = tpu.scan <max>, %reduce_max3A_857 masked %reduce_max3A_854 : vector<16xi32>, vector<16xi1> -> vector<16xi32>
              %reduce_max3A_859 = arith.xori %reduce_max3A_858, %reduce_max3A_856 : vector<16xi32>
              %reduce_max3A_860 = vector.extract %reduce_max3A_859[15] : i32 from vector<16xi32>
              %add3A_861 = arith.addi %add3A_838, %reduce_max3A_860 : i32
              %swap3A_862 = arith.constant 0 : i32
              %swap3A_863 = arith.index_cast %swap3A_862 : i32 to index
              %swap3A_864 = memref.load %arg16[%swap3A_863] : memref<1xi32, #tpu.memory_space<smem>>
              memref.store %add3A_861, %arg16[%swap3A_863] : memref<1xi32, #tpu.memory_space<smem>>
            } else {
            }
            %scan3A_675 = arith.constant 0 : i32
            scf.yield %scan3A_675 : i32
          }
          %scan3A_601 = arith.constant 4 : i32
          %get3A_602 = arith.constant 0 : i32
          %get3A_603 = arith.index_cast %get3A_602 : i32 to index
          %get3A_604 = memref.load %arg16[%get3A_603] : memref<1xi32, #tpu.memory_space<smem>>
          %gt3A_605 = arith.constant 2048 : i32
          %gt3A_606 = arith.cmpi sgt, %get3A_604, %gt3A_605 : i32
          %convert_element_type3A_607 = arith.extui %gt3A_606 : i1 to i32
          %cond3A_608 = arith.constant 0 : i32
          %cond3A_609 = arith.cmpi ne, %convert_element_type3A_607, %cond3A_608 : i32
          scf.if %cond3A_609 {
            %get3A_613 = arith.constant 0 : i32
            %get3A_614 = arith.index_cast %get3A_613 : i32 to index
            %get3A_615 = memref.load %arg16[%get3A_614] : memref<1xi32, #tpu.memory_space<smem>>
            %add3A_616 = arith.constant 15 : i32
            %add3A_617 = arith.addi %get3A_615, %add3A_616 : i32
            %shift_right_arithmetic3A_618 = arith.constant 4 : i32
            %shift_right_arithmetic3A_619 = arith.shrsi %add3A_617, %shift_right_arithmetic3A_618 : i32
            %scan3A_620 = arith.constant 0 : i32
            %scan3A_621 = arith.constant 2139095040 : i32
            %scan3A_622 = arith.constant 0 : i32
            %scan3A_623 = arith.constant 31 : i32
            %scan3A_624 = arith.addi %scan3A_622, %scan3A_623 : i32
            %scan3A_625 = arith.constant 1 : i32
            %scan3A_626:2 = scf.for %scan3A_652 = %scan3A_622 to %scan3A_624 step %scan3A_625 iter_args(%scan3A_653 = %scan3A_620, %scan3A_654 = %scan3A_621) -> (i32, i32)  : i32 {
              %sub3A = arith.subi %scan3A_654, %scan3A_653 : i32
              %shift_right_arithmetic3A_655 = arith.constant 1 : i32
              %shift_right_arithmetic3A_656 = arith.shrsi %sub3A, %shift_right_arithmetic3A_655 : i32
              %add3A_657 = arith.addi %scan3A_653, %shift_right_arithmetic3A_656 : i32
              %broadcast_in_dim3A_658 = vector.broadcast %add3A_657 : i32 to vector<16xi32>
              %bitcast3A_659 = vector.bitcast %broadcast_in_dim3A_658 : vector<16xi32> to vector<16xf32>
              %while3A_660 = arith.constant 0 : i32
              %while3A_661 = arith.constant 0 : i32
              %while3A_662 = arith.subi %shift_right_arithmetic3A_619, %while3A_660 : i32
              %while3A_663 = arith.addi %while3A_660, %while3A_662 : i32
              %while3A_664 = arith.constant 1 : i32
              %while3A_665 = arith.divsi %while3A_662, %while3A_664 : i32
              %while3A_666 = arith.muli %while3A_665, %while3A_664 : i32
              %while3A_667 = arith.addi %while3A_660, %while3A_666 : i32
              %while3A_668 = arith.constant 1 : i32
              %while3A_669 = scf.for %while3A_675 = %while3A_660 to %while3A_667 step %while3A_668 iter_args(%while3A_676 = %while3A_661) -> (i32)  : i32 {
                %mul3A_677 = arith.constant 16 : i32
                %mul3A_678 = arith.muli %while3A_675, %mul3A_677 : i32
                %get3A_679 = arith.index_cast %mul3A_678 : i32 to index
                %get3A_680 = tpu.vector_load %arg8[%get3A_679] {strides = array<i32>} : memref<2576xf32, #tpu.memory_space<vmem>>, vector<16xf32>,
                %mul3A_681 = arith.constant 16 : i32
                %mul3A_682 = arith.muli %while3A_675, %mul3A_681 : i32
                %add3A_683 = vector.broadcast %mul3A_682 : i32 to vector<16xi32>
                %add3A_684 = arith.addi %add3A_683, %iota3A : vector<16xi32>
                %lt3A_685 = vector.broadcast %get3A_615 : i32 to vector<16xi32>
                %lt3A_686 = arith.cmpi slt, %add3A_684, %lt3A_685 : vector<16xi32>
                %ge3A_687 = arith.cmpf oge, %get3A_680, %bitcast3A_659 : vector<16xf32>
                %and3A_688 = arith.andi %ge3A_687, %lt3A_686 : vector<16xi1>
                %all_reduce_population_count3A = tpu.all_reduce %and3A_688 {dim = 0 : i64, kind = #tpu.reduction_kind<sum>} : vector<16xi1> -> vector<16xi32>
                %reduce_max3A_689 = arith.constant true
                %reduce_max3A_690 = vector.broadcast %reduce_max3A_689 : i1 to vector<16xi1>
                %reduce_max3A_691 = arith.constant -2147483648 : i32
                %reduce_max3A_692 = vector.broadcast %reduce_max3A_691 : i32 to vector<16xi32>
                %reduce_max3A_693 = arith.xori %all_reduce_population_count3A, %reduce_max3A_692 : vector<16xi32>
                %reduce_max3A_694 = tpu.scan <max>, %reduce_max3A_693 masked %reduce_max3A_690 : vector<16xi32>, vector<16xi1> -> vector<16xi32>
                %reduce_max3A_695 = arith.xori %reduce_max3A_694, %reduce_max3A_692 : vector<16xi32>
                %reduce_max3A_696 = vector.extract %reduce_max3A_695[15] : i32 from vector<16xi32>
                %add3A_697 = arith.addi %while3A_676, %reduce_max3A_696 : i32
                scf.yield %add3A_697 : i32
              }
              %while3A_670 = arith.constant 1 : i32
              %while3A_671 = scf.for %while3A_675 = %while3A_667 to %while3A_663 step %while3A_670 iter_args(%while3A_676 = %while3A_669) -> (i32)  : i32 {
                %mul3A_677 = arith.constant 16 : i32
                %mul3A_678 = arith.muli %while3A_675, %mul3A_677 : i32
                %get3A_679 = arith.index_cast %mul3A_678 : i32 to index
                %get3A_680 = tpu.vector_load %arg8[%get3A_679] {strides = array<i32>} : memref<2576xf32, #tpu.memory_space<vmem>>, vector<16xf32>,
                %mul3A_681 = arith.constant 16 : i32
                %mul3A_682 = arith.muli %while3A_675, %mul3A_681 : i32
                %add3A_683 = vector.broadcast %mul3A_682 : i32 to vector<16xi32>
                %add3A_684 = arith.addi %add3A_683, %iota3A : vector<16xi32>
                %lt3A_685 = vector.broadcast %get3A_615 : i32 to vector<16xi32>
                %lt3A_686 = arith.cmpi slt, %add3A_684, %lt3A_685 : vector<16xi32>
                %ge3A_687 = arith.cmpf oge, %get3A_680, %bitcast3A_659 : vector<16xf32>
                %and3A_688 = arith.andi %ge3A_687, %lt3A_686 : vector<16xi1>
                %all_reduce_population_count3A = tpu.all_reduce %and3A_688 {dim = 0 : i64, kind = #tpu.reduction_kind<sum>} : vector<16xi1> -> vector<16xi32>
                %reduce_max3A_689 = arith.constant true
                %reduce_max3A_690 = vector.broadcast %reduce_max3A_689 : i1 to vector<16xi1>
                %reduce_max3A_691 = arith.constant -2147483648 : i32
                %reduce_max3A_692 = vector.broadcast %reduce_max3A_691 : i32 to vector<16xi32>
                %reduce_max3A_693 = arith.xori %all_reduce_population_count3A, %reduce_max3A_692 : vector<16xi32>
                %reduce_max3A_694 = tpu.scan <max>, %reduce_max3A_693 masked %reduce_max3A_690 : vector<16xi32>, vector<16xi1> -> vector<16xi32>
                %reduce_max3A_695 = arith.xori %reduce_max3A_694, %reduce_max3A_692 : vector<16xi32>
                %reduce_max3A_696 = vector.extract %reduce_max3A_695[15] : i32 from vector<16xi32>
                %add3A_697 = arith.addi %while3A_676, %reduce_max3A_696 : i32
                scf.yield %add3A_697 : i32
              }
              %ge3A = arith.constant 50 : i32
              %ge3A_672 = arith.cmpi sge, %while3A_671, %ge3A : i32
              %select_n3A_673 = arith.select %ge3A_672, %add3A_657, %scan3A_653 : i32
              %select_n3A_674 = arith.select %ge3A_672, %scan3A_654, %add3A_657 : i32
              scf.yield %select_n3A_673, %select_n3A_674 : i32, i32
            }
            %scan3A_627 = arith.constant 31 : i32
            %broadcast_in_dim3A_628 = vector.broadcast %scan3A_626#0 : i32 to vector<16xi32>
            %bitcast3A_629 = vector.bitcast %broadcast_in_dim3A_628 : vector<16xi32> to vector<16xf32>
            %reduce_max3A_630 = arith.constant true
            %reduce_max3A_631 = vector.broadcast %reduce_max3A_630 : i1 to vector<16xi1>
            %reduce_max3A_632 = tpu.scan <max>, %bitcast3A_629 masked %reduce_max3A_631 : vector<16xf32>, vector<16xi1> -> vector<16xf32>
            %reduce_max3A_633 = vector.extract %reduce_max3A_632[15] : f32 from vector<16xf32>
            %swap3A_634 = arith.constant 0 : i32
            %swap3A_635 = arith.index_cast %swap3A_634 : i32 to index
            %swap3A_636 = memref.load %arg17[%swap3A_635] : memref<1xf32, #tpu.memory_space<smem>>
            memref.store %reduce_max3A_633, %arg17[%swap3A_635] : memref<1xf32, #tpu.memory_space<smem>>
            %while3A_637 = arith.constant 0 : i32
            %while3A_638 = arith.constant 0 : i32
            %while3A_639 = arith.subi %shift_right_arithmetic3A_619, %while3A_637 : i32
            %while3A_640 = arith.addi %while3A_637, %while3A_639 : i32
            %while3A_641 = arith.constant 1 : i32
            %while3A_642 = arith.divsi %while3A_639, %while3A_641 : i32
            %while3A_643 = arith.muli %while3A_642, %while3A_641 : i32
            %while3A_644 = arith.addi %while3A_637, %while3A_643 : i32
            %while3A_645 = arith.constant 1 : i32
            %while3A_646 = scf.for %while3A_652 = %while3A_637 to %while3A_644 step %while3A_645 iter_args(%while3A_653 = %while3A_638) -> (i32)  : i32 {
              %mul3A_654 = arith.constant 16 : i32
              %mul3A_655 = arith.muli %while3A_652, %mul3A_654 : i32
              %get3A_656 = arith.index_cast %mul3A_655 : i32 to index
              %get3A_657 = tpu.vector_load %arg8[%get3A_656] {strides = array<i32>} : memref<2576xf32, #tpu.memory_space<vmem>>, vector<16xf32>,
              %mul3A_658 = arith.constant 16 : i32
              %mul3A_659 = arith.muli %while3A_652, %mul3A_658 : i32
              %get3A_660 = arith.index_cast %mul3A_659 : i32 to index
              %get3A_661 = tpu.vector_load %arg9[%get3A_660] {strides = array<i32>} : memref<2576xi32, #tpu.memory_space<vmem>>, vector<16xi32>,
              %mul3A_662 = arith.constant 16 : i32
              %mul3A_663 = arith.muli %while3A_652, %mul3A_662 : i32
              %add3A_664 = vector.broadcast %mul3A_663 : i32 to vector<16xi32>
              %add3A_665 = arith.addi %add3A_664, %iota3A : vector<16xi32>
              %lt3A_666 = vector.broadcast %get3A_615 : i32 to vector<16xi32>
              %lt3A_667 = arith.cmpi slt, %add3A_665, %lt3A_666 : vector<16xi32>
              %ge3A = vector.broadcast %reduce_max3A_633 : f32 to vector<16xf32>
              %ge3A_668 = arith.cmpf oge, %get3A_657, %ge3A : vector<16xf32>
              %and3A_669 = arith.andi %ge3A_668, %lt3A_667 : vector<16xi1>
              %swap3A_670 = arith.index_cast %while3A_653 : i32 to index
              %swap3A_671 = tpu.vector_load %arg8[%swap3A_670] masked %and3A_669 {strides = array<i32>} : memref<2576xf32, #tpu.memory_space<vmem>>, vector<16xf32>, vector<16xi1>
              tpu.vector_store %arg8[%swap3A_670], %get3A_657 masked %and3A_669 {strides = array<i32>} : memref<2576xf32, #tpu.memory_space<vmem>>, vector<16xf32>, vector<16xi1>
              %swap3A_672 = arith.index_cast %while3A_653 : i32 to index
              %swap3A_673 = tpu.vector_load %arg9[%swap3A_672] masked %and3A_669 {strides = array<i32>} : memref<2576xi32, #tpu.memory_space<vmem>>, vector<16xi32>, vector<16xi1>
              tpu.vector_store %arg9[%swap3A_672], %get3A_661 masked %and3A_669 {strides = array<i32>} : memref<2576xi32, #tpu.memory_space<vmem>>, vector<16xi32>, vector<16xi1>
              %all_reduce_population_count3A = tpu.all_reduce %and3A_669 {dim = 0 : i64, kind = #tpu.reduction_kind<sum>} : vector<16xi1> -> vector<16xi32>
              %reduce_max3A_674 = arith.constant true
              %reduce_max3A_675 = vector.broadcast %reduce_max3A_674 : i1 to vector<16xi1>
              %reduce_max3A_676 = arith.constant -2147483648 : i32
              %reduce_max3A_677 = vector.broadcast %reduce_max3A_676 : i32 to vector<16xi32>
              %reduce_max3A_678 = arith.xori %all_reduce_population_count3A, %reduce_max3A_677 : vector<16xi32>
              %reduce_max3A_679 = tpu.scan <max>, %reduce_max3A_678 masked %reduce_max3A_675 : vector<16xi32>, vector<16xi1> -> vector<16xi32>
              %reduce_max3A_680 = arith.xori %reduce_max3A_679, %reduce_max3A_677 : vector<16xi32>
              %reduce_max3A_681 = vector.extract %reduce_max3A_680[15] : i32 from vector<16xi32>
              %add3A_682 = arith.addi %while3A_653, %reduce_max3A_681 : i32
              scf.yield %add3A_682 : i32
            }
            %while3A_647 = arith.constant 1 : i32
            %while3A_648 = scf.for %while3A_652 = %while3A_644 to %while3A_640 step %while3A_647 iter_args(%while3A_653 = %while3A_646) -> (i32)  : i32 {
              %mul3A_654 = arith.constant 16 : i32
              %mul3A_655 = arith.muli %while3A_652, %mul3A_654 : i32
              %get3A_656 = arith.index_cast %mul3A_655 : i32 to index
              %get3A_657 = tpu.vector_load %arg8[%get3A_656] {strides = array<i32>} : memref<2576xf32, #tpu.memory_space<vmem>>, vector<16xf32>,
              %mul3A_658 = arith.constant 16 : i32
              %mul3A_659 = arith.muli %while3A_652, %mul3A_658 : i32
              %get3A_660 = arith.index_cast %mul3A_659 : i32 to index
              %get3A_661 = tpu.vector_load %arg9[%get3A_660] {strides = array<i32>} : memref<2576xi32, #tpu.memory_space<vmem>>, vector<16xi32>,
              %mul3A_662 = arith.constant 16 : i32
              %mul3A_663 = arith.muli %while3A_652, %mul3A_662 : i32
              %add3A_664 = vector.broadcast %mul3A_663 : i32 to vector<16xi32>
              %add3A_665 = arith.addi %add3A_664, %iota3A : vector<16xi32>
              %lt3A_666 = vector.broadcast %get3A_615 : i32 to vector<16xi32>
              %lt3A_667 = arith.cmpi slt, %add3A_665, %lt3A_666 : vector<16xi32>
              %ge3A = vector.broadcast %reduce_max3A_633 : f32 to vector<16xf32>
              %ge3A_668 = arith.cmpf oge, %get3A_657, %ge3A : vector<16xf32>
              %and3A_669 = arith.andi %ge3A_668, %lt3A_667 : vector<16xi1>
              %swap3A_670 = arith.index_cast %while3A_653 : i32 to index
              %swap3A_671 = tpu.vector_load %arg8[%swap3A_670] masked %and3A_669 {strides = array<i32>} : memref<2576xf32, #tpu.memory_space<vmem>>, vector<16xf32>, vector<16xi1>
              tpu.vector_store %arg8[%swap3A_670], %get3A_657 masked %and3A_669 {strides = array<i32>} : memref<2576xf32, #tpu.memory_space<vmem>>, vector<16xf32>, vector<16xi1>
              %swap3A_672 = arith.index_cast %while3A_653 : i32 to index
              %swap3A_673 = tpu.vector_load %arg9[%swap3A_672] masked %and3A_669 {strides = array<i32>} : memref<2576xi32, #tpu.memory_space<vmem>>, vector<16xi32>, vector<16xi1>
              tpu.vector_store %arg9[%swap3A_672], %get3A_661 masked %and3A_669 {strides = array<i32>} : memref<2576xi32, #tpu.memory_space<vmem>>, vector<16xi32>, vector<16xi1>
              %all_reduce_population_count3A = tpu.all_reduce %and3A_669 {dim = 0 : i64, kind = #tpu.reduction_kind<sum>} : vector<16xi1> -> vector<16xi32>
              %reduce_max3A_674 = arith.constant true
              %reduce_max3A_675 = vector.broadcast %reduce_max3A_674 : i1 to vector<16xi1>
              %reduce_max3A_676 = arith.constant -2147483648 : i32
              %reduce_max3A_677 = vector.broadcast %reduce_max3A_676 : i32 to vector<16xi32>
              %reduce_max3A_678 = arith.xori %all_reduce_population_count3A, %reduce_max3A_677 : vector<16xi32>
              %reduce_max3A_679 = tpu.scan <max>, %reduce_max3A_678 masked %reduce_max3A_675 : vector<16xi32>, vector<16xi1> -> vector<16xi32>
              %reduce_max3A_680 = arith.xori %reduce_max3A_679, %reduce_max3A_677 : vector<16xi32>
              %reduce_max3A_681 = vector.extract %reduce_max3A_680[15] : i32 from vector<16xi32>
              %add3A_682 = arith.addi %while3A_653, %reduce_max3A_681 : i32
              scf.yield %add3A_682 : i32
            }
            %swap3A_649 = arith.constant 0 : i32
            %swap3A_650 = arith.index_cast %swap3A_649 : i32 to index
            %swap3A_651 = memref.load %arg16[%swap3A_650] : memref<1xi32, #tpu.memory_space<smem>>
            memref.store %while3A_648, %arg16[%swap3A_650] : memref<1xi32, #tpu.memory_space<smem>>
          } else {
          }
          %get3A_610 = arith.constant 0 : i32
          %get3A_611 = arith.index_cast %get3A_610 : i32 to index
          %get3A_612 = memref.load %arg17[%get3A_611] : memref<1xf32, #tpu.memory_space<smem>>
          scf.yield %get3A_612 : f32
        } else {
          scf.yield %scan3A_356 : f32
        }
        scf.yield %cond3A_591 : f32
      }
      %scan3A_354 = arith.constant 64 : i32
      scf.yield %scan3A_353 : f32
    }
    %scan3A_15 = arith.constant 32 : i32
    %get3A = arith.constant 0 : i32
    %get3A_16 = arith.index_cast %get3A : i32 to index
    %get3A_17 = memref.load %arg16[%get3A_16] : memref<1xi32, #tpu.memory_space<smem>>
    %add3A_18 = arith.constant 15 : i32
    %add3A_19 = arith.addi %get3A_17, %add3A_18 : i32
    %shift_right_arithmetic3A = arith.constant 4 : i32
    %shift_right_arithmetic3A_20 = arith.shrsi %add3A_19, %shift_right_arithmetic3A : i32
    %scan3A_21 = arith.constant 0 : i32
    %scan3A_22 = arith.constant 2139095040 : i32
    %scan3A_23 = arith.constant 0 : i32
    %scan3A_24 = arith.constant 31 : i32
    %scan3A_25 = arith.addi %scan3A_23, %scan3A_24 : i32
    %scan3A_26 = arith.constant 1 : i32
    %scan3A_27:2 = scf.for %scan3A_343 = %scan3A_23 to %scan3A_25 step %scan3A_26 iter_args(%scan3A_344 = %scan3A_21, %scan3A_345 = %scan3A_22) -> (i32, i32)  : i32 {
      %sub3A = arith.subi %scan3A_345, %scan3A_344 : i32
      %shift_right_arithmetic3A_346 = arith.constant 1 : i32
      %shift_right_arithmetic3A_347 = arith.shrsi %sub3A, %shift_right_arithmetic3A_346 : i32
      %add3A_348 = arith.addi %scan3A_344, %shift_right_arithmetic3A_347 : i32
      %broadcast_in_dim3A_349 = vector.broadcast %add3A_348 : i32 to vector<16xi32>
      %bitcast3A_350 = vector.bitcast %broadcast_in_dim3A_349 : vector<16xi32> to vector<16xf32>
      %while3A_351 = arith.constant 0 : i32
      %while3A_352 = arith.constant 0 : i32
      %while3A_353 = arith.subi %shift_right_arithmetic3A_20, %while3A_351 : i32
      %while3A_354 = arith.addi %while3A_351, %while3A_353 : i32
      %while3A_355 = arith.constant 1 : i32
      %while3A_356 = arith.divsi %while3A_353, %while3A_355 : i32
      %while3A_357 = arith.muli %while3A_356, %while3A_355 : i32
      %while3A_358 = arith.addi %while3A_351, %while3A_357 : i32
      %while3A_359 = arith.constant 1 : i32
      %while3A_360 = scf.for %while3A_366 = %while3A_351 to %while3A_358 step %while3A_359 iter_args(%while3A_367 = %while3A_352) -> (i32)  : i32 {
        %mul3A_368 = arith.constant 16 : i32
        %mul3A_369 = arith.muli %while3A_366, %mul3A_368 : i32
        %get3A_370 = arith.index_cast %mul3A_369 : i32 to index
        %get3A_371 = tpu.vector_load %arg8[%get3A_370] {strides = array<i32>} : memref<2576xf32, #tpu.memory_space<vmem>>, vector<16xf32>,
        %mul3A_372 = arith.constant 16 : i32
        %mul3A_373 = arith.muli %while3A_366, %mul3A_372 : i32
        %add3A_374 = vector.broadcast %mul3A_373 : i32 to vector<16xi32>
        %add3A_375 = arith.addi %add3A_374, %iota3A : vector<16xi32>
        %lt3A_376 = vector.broadcast %get3A_17 : i32 to vector<16xi32>
        %lt3A_377 = arith.cmpi slt, %add3A_375, %lt3A_376 : vector<16xi32>
        %ge3A_378 = arith.cmpf oge, %get3A_371, %bitcast3A_350 : vector<16xf32>
        %and3A_379 = arith.andi %ge3A_378, %lt3A_377 : vector<16xi1>
        %all_reduce_population_count3A = tpu.all_reduce %and3A_379 {dim = 0 : i64, kind = #tpu.reduction_kind<sum>} : vector<16xi1> -> vector<16xi32>
        %reduce_max3A_380 = arith.constant true
        %reduce_max3A_381 = vector.broadcast %reduce_max3A_380 : i1 to vector<16xi1>
        %reduce_max3A_382 = arith.constant -2147483648 : i32
        %reduce_max3A_383 = vector.broadcast %reduce_max3A_382 : i32 to vector<16xi32>
        %reduce_max3A_384 = arith.xori %all_reduce_population_count3A, %reduce_max3A_383 : vector<16xi32>
        %reduce_max3A_385 = tpu.scan <max>, %reduce_max3A_384 masked %reduce_max3A_381 : vector<16xi32>, vector<16xi1> -> vector<16xi32>
        %reduce_max3A_386 = arith.xori %reduce_max3A_385, %reduce_max3A_383 : vector<16xi32>
        %reduce_max3A_387 = vector.extract %reduce_max3A_386[15] : i32 from vector<16xi32>
        %add3A_388 = arith.addi %while3A_367, %reduce_max3A_387 : i32
        scf.yield %add3A_388 : i32
      }
      %while3A_361 = arith.constant 1 : i32
      %while3A_362 = scf.for %while3A_366 = %while3A_358 to %while3A_354 step %while3A_361 iter_args(%while3A_367 = %while3A_360) -> (i32)  : i32 {
        %mul3A_368 = arith.constant 16 : i32
        %mul3A_369 = arith.muli %while3A_366, %mul3A_368 : i32
        %get3A_370 = arith.index_cast %mul3A_369 : i32 to index
        %get3A_371 = tpu.vector_load %arg8[%get3A_370] {strides = array<i32>} : memref<2576xf32, #tpu.memory_space<vmem>>, vector<16xf32>,
        %mul3A_372 = arith.constant 16 : i32
        %mul3A_373 = arith.muli %while3A_366, %mul3A_372 : i32
        %add3A_374 = vector.broadcast %mul3A_373 : i32 to vector<16xi32>
        %add3A_375 = arith.addi %add3A_374, %iota3A : vector<16xi32>
        %lt3A_376 = vector.broadcast %get3A_17 : i32 to vector<16xi32>
        %lt3A_377 = arith.cmpi slt, %add3A_375, %lt3A_376 : vector<16xi32>
        %ge3A_378 = arith.cmpf oge, %get3A_371, %bitcast3A_350 : vector<16xf32>
        %and3A_379 = arith.andi %ge3A_378, %lt3A_377 : vector<16xi1>
        %all_reduce_population_count3A = tpu.all_reduce %and3A_379 {dim = 0 : i64, kind = #tpu.reduction_kind<sum>} : vector<16xi1> -> vector<16xi32>
        %reduce_max3A_380 = arith.constant true
        %reduce_max3A_381 = vector.broadcast %reduce_max3A_380 : i1 to vector<16xi1>
        %reduce_max3A_382 = arith.constant -2147483648 : i32
        %reduce_max3A_383 = vector.broadcast %reduce_max3A_382 : i32 to vector<16xi32>
        %reduce_max3A_384 = arith.xori %all_reduce_population_count3A, %reduce_max3A_383 : vector<16xi32>
        %reduce_max3A_385 = tpu.scan <max>, %reduce_max3A_384 masked %reduce_max3A_381 : vector<16xi32>, vector<16xi1> -> vector<16xi32>
        %reduce_max3A_386 = arith.xori %reduce_max3A_385, %reduce_max3A_383 : vector<16xi32>
        %reduce_max3A_387 = vector.extract %reduce_max3A_386[15] : i32 from vector<16xi32>
        %add3A_388 = arith.addi %while3A_367, %reduce_max3A_387 : i32
        scf.yield %add3A_388 : i32
      }
      %ge3A = arith.constant 50 : i32
      %ge3A_363 = arith.cmpi sge, %while3A_362, %ge3A : i32
      %select_n3A_364 = arith.select %ge3A_363, %add3A_348, %scan3A_344 : i32
      %select_n3A_365 = arith.select %ge3A_363, %scan3A_345, %add3A_348 : i32
      scf.yield %select_n3A_364, %select_n3A_365 : i32, i32
    }
    %scan3A_28 = arith.constant 31 : i32
    %broadcast_in_dim3A = vector.broadcast %scan3A_27#0 : i32 to vector<16xi32>
    %bitcast3A = vector.bitcast %broadcast_in_dim3A : vector<16xi32> to vector<16xf32>
    %reduce_max3A = arith.constant true
    %reduce_max3A_29 = vector.broadcast %reduce_max3A : i1 to vector<16xi1>
    %reduce_max3A_30 = tpu.scan <max>, %bitcast3A masked %reduce_max3A_29 : vector<16xf32>, vector<16xi1> -> vector<16xf32>
    %reduce_max3A_31 = vector.extract %reduce_max3A_30[15] : f32 from vector<16xf32>
    %swap3A_32 = arith.constant 0 : i32
    %swap3A_33 = arith.index_cast %swap3A_32 : i32 to index
    %swap3A_34 = memref.load %arg17[%swap3A_33] : memref<1xf32, #tpu.memory_space<smem>>
    memref.store %reduce_max3A_31, %arg17[%swap3A_33] : memref<1xf32, #tpu.memory_space<smem>>
    %while3A = arith.constant 0 : i32
    %while3A_35 = arith.constant 0 : i32
    %while3A_36 = arith.subi %shift_right_arithmetic3A_20, %while3A : i32
    %while3A_37 = arith.addi %while3A, %while3A_36 : i32
    %while3A_38 = arith.constant 1 : i32
    %while3A_39 = arith.divsi %while3A_36, %while3A_38 : i32
    %while3A_40 = arith.muli %while3A_39, %while3A_38 : i32
    %while3A_41 = arith.addi %while3A, %while3A_40 : i32
    %while3A_42 = arith.constant 1 : i32
    %while3A_43 = scf.for %while3A_343 = %while3A to %while3A_41 step %while3A_42 iter_args(%while3A_344 = %while3A_35) -> (i32)  : i32 {
      %mul3A_345 = arith.constant 16 : i32
      %mul3A_346 = arith.muli %while3A_343, %mul3A_345 : i32
      %get3A_347 = arith.index_cast %mul3A_346 : i32 to index
      %get3A_348 = tpu.vector_load %arg8[%get3A_347] {strides = array<i32>} : memref<2576xf32, #tpu.memory_space<vmem>>, vector<16xf32>,
      %mul3A_349 = arith.constant 16 : i32
      %mul3A_350 = arith.muli %while3A_343, %mul3A_349 : i32
      %get3A_351 = arith.index_cast %mul3A_350 : i32 to index
      %get3A_352 = tpu.vector_load %arg9[%get3A_351] {strides = array<i32>} : memref<2576xi32, #tpu.memory_space<vmem>>, vector<16xi32>,
      %mul3A_353 = arith.constant 16 : i32
      %mul3A_354 = arith.muli %while3A_343, %mul3A_353 : i32
      %add3A_355 = vector.broadcast %mul3A_354 : i32 to vector<16xi32>
      %add3A_356 = arith.addi %add3A_355, %iota3A : vector<16xi32>
      %lt3A_357 = vector.broadcast %get3A_17 : i32 to vector<16xi32>
      %lt3A_358 = arith.cmpi slt, %add3A_356, %lt3A_357 : vector<16xi32>
      %ge3A = vector.broadcast %reduce_max3A_31 : f32 to vector<16xf32>
      %ge3A_359 = arith.cmpf oge, %get3A_348, %ge3A : vector<16xf32>
      %and3A_360 = arith.andi %ge3A_359, %lt3A_358 : vector<16xi1>
      %swap3A_361 = arith.index_cast %while3A_344 : i32 to index
      %swap3A_362 = tpu.vector_load %arg8[%swap3A_361] masked %and3A_360 {strides = array<i32>} : memref<2576xf32, #tpu.memory_space<vmem>>, vector<16xf32>, vector<16xi1>
      tpu.vector_store %arg8[%swap3A_361], %get3A_348 masked %and3A_360 {strides = array<i32>} : memref<2576xf32, #tpu.memory_space<vmem>>, vector<16xf32>, vector<16xi1>
      %swap3A_363 = arith.index_cast %while3A_344 : i32 to index
      %swap3A_364 = tpu.vector_load %arg9[%swap3A_363] masked %and3A_360 {strides = array<i32>} : memref<2576xi32, #tpu.memory_space<vmem>>, vector<16xi32>, vector<16xi1>
      tpu.vector_store %arg9[%swap3A_363], %get3A_352 masked %and3A_360 {strides = array<i32>} : memref<2576xi32, #tpu.memory_space<vmem>>, vector<16xi32>, vector<16xi1>
      %all_reduce_population_count3A = tpu.all_reduce %and3A_360 {dim = 0 : i64, kind = #tpu.reduction_kind<sum>} : vector<16xi1> -> vector<16xi32>
      %reduce_max3A_365 = arith.constant true
      %reduce_max3A_366 = vector.broadcast %reduce_max3A_365 : i1 to vector<16xi1>
      %reduce_max3A_367 = arith.constant -2147483648 : i32
      %reduce_max3A_368 = vector.broadcast %reduce_max3A_367 : i32 to vector<16xi32>
      %reduce_max3A_369 = arith.xori %all_reduce_population_count3A, %reduce_max3A_368 : vector<16xi32>
      %reduce_max3A_370 = tpu.scan <max>, %reduce_max3A_369 masked %reduce_max3A_366 : vector<16xi32>, vector<16xi1> -> vector<16xi32>
      %reduce_max3A_371 = arith.xori %reduce_max3A_370, %reduce_max3A_368 : vector<16xi32>
      %reduce_max3A_372 = vector.extract %reduce_max3A_371[15] : i32 from vector<16xi32>
      %add3A_373 = arith.addi %while3A_344, %reduce_max3A_372 : i32
      scf.yield %add3A_373 : i32
    }
    %while3A_44 = arith.constant 1 : i32
    %while3A_45 = scf.for %while3A_343 = %while3A_41 to %while3A_37 step %while3A_44 iter_args(%while3A_344 = %while3A_43) -> (i32)  : i32 {
      %mul3A_345 = arith.constant 16 : i32
      %mul3A_346 = arith.muli %while3A_343, %mul3A_345 : i32
      %get3A_347 = arith.index_cast %mul3A_346 : i32 to index
      %get3A_348 = tpu.vector_load %arg8[%get3A_347] {strides = array<i32>} : memref<2576xf32, #tpu.memory_space<vmem>>, vector<16xf32>,
      %mul3A_349 = arith.constant 16 : i32
      %mul3A_350 = arith.muli %while3A_343, %mul3A_349 : i32
      %get3A_351 = arith.index_cast %mul3A_350 : i32 to index
      %get3A_352 = tpu.vector_load %arg9[%get3A_351] {strides = array<i32>} : memref<2576xi32, #tpu.memory_space<vmem>>, vector<16xi32>,
      %mul3A_353 = arith.constant 16 : i32
      %mul3A_354 = arith.muli %while3A_343, %mul3A_353 : i32
      %add3A_355 = vector.broadcast %mul3A_354 : i32 to vector<16xi32>
      %add3A_356 = arith.addi %add3A_355, %iota3A : vector<16xi32>
      %lt3A_357 = vector.broadcast %get3A_17 : i32 to vector<16xi32>
      %lt3A_358 = arith.cmpi slt, %add3A_356, %lt3A_357 : vector<16xi32>
      %ge3A = vector.broadcast %reduce_max3A_31 : f32 to vector<16xf32>
      %ge3A_359 = arith.cmpf oge, %get3A_348, %ge3A : vector<16xf32>
      %and3A_360 = arith.andi %ge3A_359, %lt3A_358 : vector<16xi1>
      %swap3A_361 = arith.index_cast %while3A_344 : i32 to index
      %swap3A_362 = tpu.vector_load %arg8[%swap3A_361] masked %and3A_360 {strides = array<i32>} : memref<2576xf32, #tpu.memory_space<vmem>>, vector<16xf32>, vector<16xi1>
      tpu.vector_store %arg8[%swap3A_361], %get3A_348 masked %and3A_360 {strides = array<i32>} : memref<2576xf32, #tpu.memory_space<vmem>>, vector<16xf32>, vector<16xi1>
      %swap3A_363 = arith.index_cast %while3A_344 : i32 to index
      %swap3A_364 = tpu.vector_load %arg9[%swap3A_363] masked %and3A_360 {strides = array<i32>} : memref<2576xi32, #tpu.memory_space<vmem>>, vector<16xi32>, vector<16xi1>
      tpu.vector_store %arg9[%swap3A_363], %get3A_352 masked %and3A_360 {strides = array<i32>} : memref<2576xi32, #tpu.memory_space<vmem>>, vector<16xi32>, vector<16xi1>
      %all_reduce_population_count3A = tpu.all_reduce %and3A_360 {dim = 0 : i64, kind = #tpu.reduction_kind<sum>} : vector<16xi1> -> vector<16xi32>
      %reduce_max3A_365 = arith.constant true
      %reduce_max3A_366 = vector.broadcast %reduce_max3A_365 : i1 to vector<16xi1>
      %reduce_max3A_367 = arith.constant -2147483648 : i32
      %reduce_max3A_368 = vector.broadcast %reduce_max3A_367 : i32 to vector<16xi32>
      %reduce_max3A_369 = arith.xori %all_reduce_population_count3A, %reduce_max3A_368 : vector<16xi32>
      %reduce_max3A_370 = tpu.scan <max>, %reduce_max3A_369 masked %reduce_max3A_366 : vector<16xi32>, vector<16xi1> -> vector<16xi32>
      %reduce_max3A_371 = arith.xori %reduce_max3A_370, %reduce_max3A_368 : vector<16xi32>
      %reduce_max3A_372 = vector.extract %reduce_max3A_371[15] : i32 from vector<16xi32>
      %add3A_373 = arith.addi %while3A_344, %reduce_max3A_372 : i32
      scf.yield %add3A_373 : i32
    }
    %swap3A_46 = arith.constant 0 : i32
    %swap3A_47 = arith.index_cast %swap3A_46 : i32 to index
    %swap3A_48 = memref.load %arg16[%swap3A_47] : memref<1xi32, #tpu.memory_space<smem>>
    memref.store %while3A_45, %arg16[%swap3A_47] : memref<1xi32, #tpu.memory_space<smem>>
    %get3A_49 = arith.constant 0 : i32
    %get3A_50 = arith.index_cast %get3A_49 : i32 to index
    %get3A_51 = memref.load %arg16[%get3A_50] : memref<1xi32, #tpu.memory_space<smem>>
    %broadcast_in_dim3A_52 = arith.constant -1.000000e+00 : f32
    %broadcast_in_dim3A_53 = vector.broadcast %broadcast_in_dim3A_52 : f32 to vector<16xf32>
    %swap3A_54 = arith.index_cast %get3A_51 : i32 to index
    %swap3A_55 = tpu.vector_load %arg8[%swap3A_54] {strides = array<i32>} : memref<2576xf32, #tpu.memory_space<vmem>>, vector<16xf32>,
    tpu.vector_store %arg8[%swap3A_54], %broadcast_in_dim3A_53 {strides = array<i32>} : memref<2576xf32, #tpu.memory_space<vmem>>, vector<16xf32>,
    %add3A_56 = arith.constant 15 : i32
    %add3A_57 = arith.addi %get3A_51, %add3A_56 : i32
    %shift_right_arithmetic3A_58 = arith.constant 4 : i32
    %shift_right_arithmetic3A_59 = arith.shrsi %add3A_57, %shift_right_arithmetic3A_58 : i32
    %scan3A_60 = arith.constant 0 : i32
    %scan3A_61 = arith.constant 0 : i32
    %scan3A_62 = arith.constant 50 : i32
    %scan3A_63 = arith.addi %scan3A_61, %scan3A_62 : i32
    %scan3A_64 = arith.constant 1 : i32
    %scan3A_65 = scf.for %scan3A_343 = %scan3A_61 to %scan3A_63 step %scan3A_64 iter_args(%scan3A_344 = %scan3A_60) -> (i32)  : i32 {
      %broadcast_in_dim3A_345 = arith.constant -1.000000e+00 : f32
      %broadcast_in_dim3A_346 = vector.broadcast %broadcast_in_dim3A_345 : f32 to vector<16xf32>
      %while3A_347 = arith.constant 0 : i32
      %while3A_348 = arith.subi %shift_right_arithmetic3A_59, %while3A_347 : i32
      %while3A_349 = arith.addi %while3A_347, %while3A_348 : i32
      %while3A_350 = arith.constant 1 : i32
      %while3A_351 = arith.divsi %while3A_348, %while3A_350 : i32
      %while3A_352 = arith.muli %while3A_351, %while3A_350 : i32
      %while3A_353 = arith.addi %while3A_347, %while3A_352 : i32
      %while3A_354 = arith.constant 1 : i32
      %while3A_355 = scf.for %while3A_399 = %while3A_347 to %while3A_353 step %while3A_354 iter_args(%while3A_400 = %broadcast_in_dim3A_346) -> (vector<16xf32>)  : i32 {
        %mul3A_401 = arith.constant 16 : i32
        %mul3A_402 = arith.muli %while3A_399, %mul3A_401 : i32
        %get3A_403 = arith.index_cast %mul3A_402 : i32 to index
        %get3A_404 = tpu.vector_load %arg8[%get3A_403] {strides = array<i32>} : memref<2576xf32, #tpu.memory_space<vmem>>, vector<16xf32>,
        %max3A = arith.maximumf %while3A_400, %get3A_404 : vector<16xf32>
        scf.yield %max3A : vector<16xf32>
      }
      %while3A_356 = arith.constant 1 : i32
      %while3A_357 = scf.for %while3A_399 = %while3A_353 to %while3A_349 step %while3A_356 iter_args(%while3A_400 = %while3A_355) -> (vector<16xf32>)  : i32 {
        %mul3A_401 = arith.constant 16 : i32
        %mul3A_402 = arith.muli %while3A_399, %mul3A_401 : i32
        %get3A_403 = arith.index_cast %mul3A_402 : i32 to index
        %get3A_404 = tpu.vector_load %arg8[%get3A_403] {strides = array<i32>} : memref<2576xf32, #tpu.memory_space<vmem>>, vector<16xf32>,
        %max3A = arith.maximumf %while3A_400, %get3A_404 : vector<16xf32>
        scf.yield %max3A : vector<16xf32>
      }
      %reduce_max3A_358 = arith.constant true
      %reduce_max3A_359 = vector.broadcast %reduce_max3A_358 : i1 to vector<16xi1>
      %reduce_max3A_360 = tpu.scan <max>, %while3A_357 masked %reduce_max3A_359 : vector<16xf32>, vector<16xi1> -> vector<16xf32>
      %reduce_max3A_361 = vector.extract %reduce_max3A_360[15] : f32 from vector<16xf32>
      %broadcast_in_dim3A_362 = arith.constant 2147483647 : i32
      %broadcast_in_dim3A_363 = vector.broadcast %broadcast_in_dim3A_362 : i32 to vector<16xi32>
      %while3A_364 = arith.constant 0 : i32
      %while3A_365 = arith.subi %shift_right_arithmetic3A_59, %while3A_364 : i32
      %while3A_366 = arith.addi %while3A_364, %while3A_365 : i32
      %while3A_367 = arith.constant 1 : i32
      %while3A_368 = arith.divsi %while3A_365, %while3A_367 : i32
      %while3A_369 = arith.muli %while3A_368, %while3A_367 : i32
      %while3A_370 = arith.addi %while3A_364, %while3A_369 : i32
      %while3A_371 = arith.constant 1 : i32
      %while3A_372 = scf.for %while3A_399 = %while3A_364 to %while3A_370 step %while3A_371 iter_args(%while3A_400 = %broadcast_in_dim3A_363) -> (vector<16xi32>)  : i32 {
        %mul3A_401 = arith.constant 16 : i32
        %mul3A_402 = arith.muli %while3A_399, %mul3A_401 : i32
        %get3A_403 = arith.index_cast %mul3A_402 : i32 to index
        %get3A_404 = tpu.vector_load %arg8[%get3A_403] {strides = array<i32>} : memref<2576xf32, #tpu.memory_space<vmem>>, vector<16xf32>,
        %mul3A_405 = arith.constant 16 : i32
        %mul3A_406 = arith.muli %while3A_399, %mul3A_405 : i32
        %get3A_407 = arith.index_cast %mul3A_406 : i32 to index
        %get3A_408 = tpu.vector_load %arg9[%get3A_407] {strides = array<i32>} : memref<2576xi32, #tpu.memory_space<vmem>>, vector<16xi32>,
        %eq3A_409 = vector.broadcast %reduce_max3A_361 : f32 to vector<16xf32>
        %eq3A_410 = arith.cmpf oeq, %get3A_404, %eq3A_409 : vector<16xf32>
        %jit3A_411 = arith.constant 2147483647 : i32
        %broadcast_in_dim3A_412 = vector.broadcast %jit3A_411 : i32 to vector<16xi32>
        %select_n3A_413 = arith.select %eq3A_410, %get3A_408, %broadcast_in_dim3A_412 : vector<16xi1>, vector<16xi32>
        %min3A = arith.minsi %while3A_400, %select_n3A_413 : vector<16xi32>
        scf.yield %min3A : vector<16xi32>
      }
      %while3A_373 = arith.constant 1 : i32
      %while3A_374 = scf.for %while3A_399 = %while3A_370 to %while3A_366 step %while3A_373 iter_args(%while3A_400 = %while3A_372) -> (vector<16xi32>)  : i32 {
        %mul3A_401 = arith.constant 16 : i32
        %mul3A_402 = arith.muli %while3A_399, %mul3A_401 : i32
        %get3A_403 = arith.index_cast %mul3A_402 : i32 to index
        %get3A_404 = tpu.vector_load %arg8[%get3A_403] {strides = array<i32>} : memref<2576xf32, #tpu.memory_space<vmem>>, vector<16xf32>,
        %mul3A_405 = arith.constant 16 : i32
        %mul3A_406 = arith.muli %while3A_399, %mul3A_405 : i32
        %get3A_407 = arith.index_cast %mul3A_406 : i32 to index
        %get3A_408 = tpu.vector_load %arg9[%get3A_407] {strides = array<i32>} : memref<2576xi32, #tpu.memory_space<vmem>>, vector<16xi32>,
        %eq3A_409 = vector.broadcast %reduce_max3A_361 : f32 to vector<16xf32>
        %eq3A_410 = arith.cmpf oeq, %get3A_404, %eq3A_409 : vector<16xf32>
        %jit3A_411 = arith.constant 2147483647 : i32
        %broadcast_in_dim3A_412 = vector.broadcast %jit3A_411 : i32 to vector<16xi32>
        %select_n3A_413 = arith.select %eq3A_410, %get3A_408, %broadcast_in_dim3A_412 : vector<16xi1>, vector<16xi32>
        %min3A = arith.minsi %while3A_400, %select_n3A_413 : vector<16xi32>
        scf.yield %min3A : vector<16xi32>
      }
      %reduce_min3A = arith.constant true
      %reduce_min3A_375 = vector.broadcast %reduce_min3A : i1 to vector<16xi1>
      %reduce_min3A_376 = arith.constant -2147483648 : i32
      %reduce_min3A_377 = vector.broadcast %reduce_min3A_376 : i32 to vector<16xi32>
      %reduce_min3A_378 = arith.xori %while3A_374, %reduce_min3A_377 : vector<16xi32>
      %reduce_min3A_379 = tpu.scan <min>, %reduce_min3A_378 masked %reduce_min3A_375 : vector<16xi32>, vector<16xi1> -> vector<16xi32>
      %reduce_min3A_380 = arith.xori %reduce_min3A_379, %reduce_min3A_377 : vector<16xi32>
      %reduce_min3A_381 = vector.extract %reduce_min3A_380[15] : i32 from vector<16xi32>
      %while3A_382 = arith.constant 0 : i32
      %while3A_383 = arith.constant 0 : i32
      %while3A_384 = arith.subi %shift_right_arithmetic3A_59, %while3A_382 : i32
      %while3A_385 = arith.addi %while3A_382, %while3A_384 : i32
      %while3A_386 = arith.constant 1 : i32
      %while3A_387 = arith.divsi %while3A_384, %while3A_386 : i32
      %while3A_388 = arith.muli %while3A_387, %while3A_386 : i32
      %while3A_389 = arith.addi %while3A_382, %while3A_388 : i32
      %while3A_390 = arith.constant 1 : i32
      %while3A_391 = scf.for %while3A_399 = %while3A_382 to %while3A_389 step %while3A_390 iter_args(%while3A_400 = %while3A_383) -> (i32)  : i32 {
        %mul3A_401 = arith.constant 16 : i32
        %mul3A_402 = arith.muli %while3A_399, %mul3A_401 : i32
        %get3A_403 = arith.index_cast %mul3A_402 : i32 to index
        %get3A_404 = tpu.vector_load %arg8[%get3A_403] {strides = array<i32>} : memref<2576xf32, #tpu.memory_space<vmem>>, vector<16xf32>,
        %mul3A_405 = arith.constant 16 : i32
        %mul3A_406 = arith.muli %while3A_399, %mul3A_405 : i32
        %get3A_407 = arith.index_cast %mul3A_406 : i32 to index
        %get3A_408 = tpu.vector_load %arg9[%get3A_407] {strides = array<i32>} : memref<2576xi32, #tpu.memory_space<vmem>>, vector<16xi32>,
        %eq3A_409 = vector.broadcast %reduce_max3A_361 : f32 to vector<16xf32>
        %eq3A_410 = arith.cmpf oeq, %get3A_404, %eq3A_409 : vector<16xf32>
        %eq3A_411 = vector.broadcast %reduce_min3A_381 : i32 to vector<16xi32>
        %eq3A_412 = arith.cmpi eq, %get3A_408, %eq3A_411 : vector<16xi32>
        %and3A_413 = arith.andi %eq3A_410, %eq3A_412 : vector<16xi1>
        %jit3A_414 = arith.constant -1.000000e+00 : f32
        %broadcast_in_dim3A_415 = vector.broadcast %jit3A_414 : f32 to vector<16xf32>
        %select_n3A_416 = arith.select %and3A_413, %broadcast_in_dim3A_415, %get3A_404 : vector<16xi1>, vector<16xf32>
        %mul3A_417 = arith.constant 16 : i32
        %mul3A_418 = arith.muli %while3A_399, %mul3A_417 : i32
        %swap3A_419 = arith.index_cast %mul3A_418 : i32 to index
        %swap3A_420 = tpu.vector_load %arg8[%swap3A_419] {strides = array<i32>} : memref<2576xf32, #tpu.memory_space<vmem>>, vector<16xf32>,
        tpu.vector_store %arg8[%swap3A_419], %select_n3A_416 {strides = array<i32>} : memref<2576xf32, #tpu.memory_space<vmem>>, vector<16xf32>,
        %while3A_421 = arith.constant 0 : i32
        scf.yield %while3A_421 : i32
      }
      %while3A_392 = arith.constant 1 : i32
      %while3A_393 = scf.for %while3A_399 = %while3A_389 to %while3A_385 step %while3A_392 iter_args(%while3A_400 = %while3A_391) -> (i32)  : i32 {
        %mul3A_401 = arith.constant 16 : i32
        %mul3A_402 = arith.muli %while3A_399, %mul3A_401 : i32
        %get3A_403 = arith.index_cast %mul3A_402 : i32 to index
        %get3A_404 = tpu.vector_load %arg8[%get3A_403] {strides = array<i32>} : memref<2576xf32, #tpu.memory_space<vmem>>, vector<16xf32>,
        %mul3A_405 = arith.constant 16 : i32
        %mul3A_406 = arith.muli %while3A_399, %mul3A_405 : i32
        %get3A_407 = arith.index_cast %mul3A_406 : i32 to index
        %get3A_408 = tpu.vector_load %arg9[%get3A_407] {strides = array<i32>} : memref<2576xi32, #tpu.memory_space<vmem>>, vector<16xi32>,
        %eq3A_409 = vector.broadcast %reduce_max3A_361 : f32 to vector<16xf32>
        %eq3A_410 = arith.cmpf oeq, %get3A_404, %eq3A_409 : vector<16xf32>
        %eq3A_411 = vector.broadcast %reduce_min3A_381 : i32 to vector<16xi32>
        %eq3A_412 = arith.cmpi eq, %get3A_408, %eq3A_411 : vector<16xi32>
        %and3A_413 = arith.andi %eq3A_410, %eq3A_412 : vector<16xi1>
        %jit3A_414 = arith.constant -1.000000e+00 : f32
        %broadcast_in_dim3A_415 = vector.broadcast %jit3A_414 : f32 to vector<16xf32>
        %select_n3A_416 = arith.select %and3A_413, %broadcast_in_dim3A_415, %get3A_404 : vector<16xi1>, vector<16xf32>
        %mul3A_417 = arith.constant 16 : i32
        %mul3A_418 = arith.muli %while3A_399, %mul3A_417 : i32
        %swap3A_419 = arith.index_cast %mul3A_418 : i32 to index
        %swap3A_420 = tpu.vector_load %arg8[%swap3A_419] {strides = array<i32>} : memref<2576xf32, #tpu.memory_space<vmem>>, vector<16xf32>,
        tpu.vector_store %arg8[%swap3A_419], %select_n3A_416 {strides = array<i32>} : memref<2576xf32, #tpu.memory_space<vmem>>, vector<16xf32>,
        %while3A_421 = arith.constant 0 : i32
        scf.yield %while3A_421 : i32
      }
      %broadcast_in_dim3A_394 = vector.broadcast %scan3A_343 : i32 to vector<16xi32>
      %broadcast_in_dim3A_395 = vector.broadcast %reduce_max3A_361 : f32 to vector<16xf32>
      tpu.vector_store_idx %arg13[%broadcast_in_dim3A_394], %broadcast_in_dim3A_395 masked %eq3A_2 : memref<64xf32, #tpu.memory_space<vmem>>[vector<16xi32>], vector<16xf32>, vector<16xi1>
      %broadcast_in_dim3A_396 = vector.broadcast %scan3A_343 : i32 to vector<16xi32>
      %broadcast_in_dim3A_397 = vector.broadcast %reduce_min3A_381 : i32 to vector<16xi32>
      tpu.vector_store_idx %arg14[%broadcast_in_dim3A_396], %broadcast_in_dim3A_397 masked %eq3A_2 : memref<64xi32, #tpu.memory_space<vmem>>[vector<16xi32>], vector<16xi32>, vector<16xi1>
      %scan3A_398 = arith.constant 0 : i32
      scf.yield %scan3A_398 : i32
    }
    %scan3A_66 = arith.constant 50 : i32
    %broadcast_in_dim3A_67 = vector.broadcast %add3A : i32 to vector<16xi32>
    %gather3A = tpu.vector_load_idx %arg12[%broadcast_in_dim3A_67] : memref<32xf32, #tpu.memory_space<vmem>>[vector<16xi32>], vector<16xf32>,
    %add3A_68 = arith.constant 0 : i32
    %add3A_69 = vector.broadcast %add3A_68 : i32 to vector<16xi32>
    %add3A_70 = arith.addi %add3A_69, %iota3A : vector<16xi32>
    %lt3A = arith.constant 50 : i32
    %lt3A_71 = vector.broadcast %lt3A : i32 to vector<16xi32>
    %lt3A_72 = arith.cmpi slt, %add3A_70, %lt3A_71 : vector<16xi32>
    %get3A_73 = arith.constant 0 : index
    %get3A_74 = tpu.vector_load %arg13[%get3A_73] {strides = array<i32>} : memref<64xf32, #tpu.memory_space<vmem>>, vector<16xf32>,
    %get3A_75 = arith.constant 0 : index
    %get3A_76 = tpu.vector_load %arg14[%get3A_75] {strides = array<i32>} : memref<64xi32, #tpu.memory_space<vmem>>, vector<16xi32>,
    %jit3A = arith.constant 0 : i32
    %broadcast_in_dim3A_77 = vector.broadcast %jit3A : i32 to vector<16xi32>
    %select_n3A = arith.select %lt3A_72, %get3A_76, %broadcast_in_dim3A_77 : vector<16xi1>, vector<16xi32>
    %shift_right_logical3A = arith.constant 10 : i32
    %shift_right_logical3A_78 = vector.broadcast %shift_right_logical3A : i32 to vector<16xi32>
    %shift_right_logical3A_79 = arith.shrui %select_n3A, %shift_right_logical3A_78 : vector<16xi32>
    %and3A = arith.constant 1023 : i32
    %and3A_80 = vector.broadcast %and3A : i32 to vector<16xi32>
    %and3A_81 = arith.andi %select_n3A, %and3A_80 : vector<16xi32>
    %mul3A_82 = arith.constant 2 : i32
    %mul3A_83 = vector.broadcast %mul3A_82 : i32 to vector<16xi32>
    %mul3A_84 = arith.muli %shift_right_logical3A_79, %mul3A_83 : vector<16xi32>
    %gather3A_85 = tpu.vector_load_idx %arg10[%mul3A_84] masked %lt3A_72 : memref<2048xf32, #tpu.memory_space<vmem>>[vector<16xi32>], vector<16xf32>, vector<16xi1>
    %mul3A_86 = arith.constant 2 : i32
    %mul3A_87 = vector.broadcast %mul3A_86 : i32 to vector<16xi32>
    %mul3A_88 = arith.muli %shift_right_logical3A_79, %mul3A_87 : vector<16xi32>
    %add3A_89 = arith.constant 1 : i32
    %add3A_90 = vector.broadcast %add3A_89 : i32 to vector<16xi32>
    %add3A_91 = arith.addi %mul3A_88, %add3A_90 : vector<16xi32>
    %gather3A_92 = tpu.vector_load_idx %arg10[%add3A_91] masked %lt3A_72 : memref<2048xf32, #tpu.memory_space<vmem>>[vector<16xi32>], vector<16xf32>, vector<16xi1>
    %mul3A_93 = arith.constant 3 : i32
    %mul3A_94 = vector.broadcast %mul3A_93 : i32 to vector<16xi32>
    %mul3A_95 = arith.muli %and3A_81, %mul3A_94 : vector<16xi32>
    %gather3A_96 = tpu.vector_load_idx %arg11[%mul3A_95] masked %lt3A_72 : memref<3072xf32, #tpu.memory_space<vmem>>[vector<16xi32>], vector<16xf32>, vector<16xi1>
    %mul3A_97 = arith.constant 3 : i32
    %mul3A_98 = vector.broadcast %mul3A_97 : i32 to vector<16xi32>
    %mul3A_99 = arith.muli %and3A_81, %mul3A_98 : vector<16xi32>
    %add3A_100 = arith.constant 1 : i32
    %add3A_101 = vector.broadcast %add3A_100 : i32 to vector<16xi32>
    %add3A_102 = arith.addi %mul3A_99, %add3A_101 : vector<16xi32>
    %gather3A_103 = tpu.vector_load_idx %arg11[%add3A_102] masked %lt3A_72 : memref<3072xf32, #tpu.memory_space<vmem>>[vector<16xi32>], vector<16xf32>, vector<16xi1>
    %mul3A_104 = arith.constant 3 : i32
    %mul3A_105 = vector.broadcast %mul3A_104 : i32 to vector<16xi32>
    %mul3A_106 = arith.muli %and3A_81, %mul3A_105 : vector<16xi32>
    %add3A_107 = arith.constant 2 : i32
    %add3A_108 = vector.broadcast %add3A_107 : i32 to vector<16xi32>
    %add3A_109 = arith.addi %mul3A_106, %add3A_108 : vector<16xi32>
    %gather3A_110 = tpu.vector_load_idx %arg11[%add3A_109] masked %lt3A_72 : memref<3072xf32, #tpu.memory_space<vmem>>[vector<16xi32>], vector<16xf32>, vector<16xi1>
    %mul3A_111 = arith.mulf %get3A_74, %gather3A : vector<16xf32>
    %mul3A_112 = arith.constant 7 : i32
    %mul3A_113 = vector.broadcast %mul3A_112 : i32 to vector<16xi32>
    %mul3A_114 = arith.muli %add3A_70, %mul3A_113 : vector<16xi32>
    tpu.vector_store_idx %arg15[%mul3A_114], %gather3A_85 masked %lt3A_72 : memref<352xf32, #tpu.memory_space<vmem>>[vector<16xi32>], vector<16xf32>, vector<16xi1>
    %add3A_115 = arith.constant 1 : i32
    %add3A_116 = vector.broadcast %add3A_115 : i32 to vector<16xi32>
    %add3A_117 = arith.addi %mul3A_114, %add3A_116 : vector<16xi32>
    tpu.vector_store_idx %arg15[%add3A_117], %gather3A_92 masked %lt3A_72 : memref<352xf32, #tpu.memory_space<vmem>>[vector<16xi32>], vector<16xf32>, vector<16xi1>
    %add3A_118 = arith.constant 2 : i32
    %add3A_119 = vector.broadcast %add3A_118 : i32 to vector<16xi32>
    %add3A_120 = arith.addi %mul3A_114, %add3A_119 : vector<16xi32>
    tpu.vector_store_idx %arg15[%add3A_120], %gather3A_96 masked %lt3A_72 : memref<352xf32, #tpu.memory_space<vmem>>[vector<16xi32>], vector<16xf32>, vector<16xi1>
    %add3A_121 = arith.constant 3 : i32
    %add3A_122 = vector.broadcast %add3A_121 : i32 to vector<16xi32>
    %add3A_123 = arith.addi %mul3A_114, %add3A_122 : vector<16xi32>
    tpu.vector_store_idx %arg15[%add3A_123], %gather3A_103 masked %lt3A_72 : memref<352xf32, #tpu.memory_space<vmem>>[vector<16xi32>], vector<16xf32>, vector<16xi1>
    %add3A_124 = arith.constant 4 : i32
    %add3A_125 = vector.broadcast %add3A_124 : i32 to vector<16xi32>
    %add3A_126 = arith.addi %mul3A_114, %add3A_125 : vector<16xi32>
    tpu.vector_store_idx %arg15[%add3A_126], %gather3A_110 masked %lt3A_72 : memref<352xf32, #tpu.memory_space<vmem>>[vector<16xi32>], vector<16xf32>, vector<16xi1>
    %add3A_127 = arith.constant 5 : i32
    %add3A_128 = vector.broadcast %add3A_127 : i32 to vector<16xi32>
    %add3A_129 = arith.addi %mul3A_114, %add3A_128 : vector<16xi32>
    tpu.vector_store_idx %arg15[%add3A_129], %mul3A_111 masked %lt3A_72 : memref<352xf32, #tpu.memory_space<vmem>>[vector<16xi32>], vector<16xf32>, vector<16xi1>
    %add3A_130 = arith.constant 6 : i32
    %add3A_131 = vector.broadcast %add3A_130 : i32 to vector<16xi32>
    %add3A_132 = arith.addi %mul3A_114, %add3A_131 : vector<16xi32>
    tpu.vector_store_idx %arg15[%add3A_132], %mul3A_111 masked %lt3A_72 : memref<352xf32, #tpu.memory_space<vmem>>[vector<16xi32>], vector<16xf32>, vector<16xi1>
    %add3A_133 = arith.constant 16 : i32
    %add3A_134 = vector.broadcast %add3A_133 : i32 to vector<16xi32>
    %add3A_135 = arith.addi %add3A_134, %iota3A : vector<16xi32>
    %lt3A_136 = arith.constant 50 : i32
    %lt3A_137 = vector.broadcast %lt3A_136 : i32 to vector<16xi32>
    %lt3A_138 = arith.cmpi slt, %add3A_135, %lt3A_137 : vector<16xi32>
    %get3A_139 = arith.constant 16 : index
    %get3A_140 = tpu.vector_load %arg13[%get3A_139] {strides = array<i32>} : memref<64xf32, #tpu.memory_space<vmem>>, vector<16xf32>,
    %get3A_141 = arith.constant 16 : index
    %get3A_142 = tpu.vector_load %arg14[%get3A_141] {strides = array<i32>} : memref<64xi32, #tpu.memory_space<vmem>>, vector<16xi32>,
    %jit3A_143 = arith.constant 0 : i32
    %broadcast_in_dim3A_144 = vector.broadcast %jit3A_143 : i32 to vector<16xi32>
    %select_n3A_145 = arith.select %lt3A_138, %get3A_142, %broadcast_in_dim3A_144 : vector<16xi1>, vector<16xi32>
    %shift_right_logical3A_146 = arith.constant 10 : i32
    %shift_right_logical3A_147 = vector.broadcast %shift_right_logical3A_146 : i32 to vector<16xi32>
    %shift_right_logical3A_148 = arith.shrui %select_n3A_145, %shift_right_logical3A_147 : vector<16xi32>
    %and3A_149 = arith.constant 1023 : i32
    %and3A_150 = vector.broadcast %and3A_149 : i32 to vector<16xi32>
    %and3A_151 = arith.andi %select_n3A_145, %and3A_150 : vector<16xi32>
    %mul3A_152 = arith.constant 2 : i32
    %mul3A_153 = vector.broadcast %mul3A_152 : i32 to vector<16xi32>
    %mul3A_154 = arith.muli %shift_right_logical3A_148, %mul3A_153 : vector<16xi32>
    %gather3A_155 = tpu.vector_load_idx %arg10[%mul3A_154] masked %lt3A_138 : memref<2048xf32, #tpu.memory_space<vmem>>[vector<16xi32>], vector<16xf32>, vector<16xi1>
    %mul3A_156 = arith.constant 2 : i32
    %mul3A_157 = vector.broadcast %mul3A_156 : i32 to vector<16xi32>
    %mul3A_158 = arith.muli %shift_right_logical3A_148, %mul3A_157 : vector<16xi32>
    %add3A_159 = arith.constant 1 : i32
    %add3A_160 = vector.broadcast %add3A_159 : i32 to vector<16xi32>
    %add3A_161 = arith.addi %mul3A_158, %add3A_160 : vector<16xi32>
    %gather3A_162 = tpu.vector_load_idx %arg10[%add3A_161] masked %lt3A_138 : memref<2048xf32, #tpu.memory_space<vmem>>[vector<16xi32>], vector<16xf32>, vector<16xi1>
    %mul3A_163 = arith.constant 3 : i32
    %mul3A_164 = vector.broadcast %mul3A_163 : i32 to vector<16xi32>
    %mul3A_165 = arith.muli %and3A_151, %mul3A_164 : vector<16xi32>
    %gather3A_166 = tpu.vector_load_idx %arg11[%mul3A_165] masked %lt3A_138 : memref<3072xf32, #tpu.memory_space<vmem>>[vector<16xi32>], vector<16xf32>, vector<16xi1>
    %mul3A_167 = arith.constant 3 : i32
    %mul3A_168 = vector.broadcast %mul3A_167 : i32 to vector<16xi32>
    %mul3A_169 = arith.muli %and3A_151, %mul3A_168 : vector<16xi32>
    %add3A_170 = arith.constant 1 : i32
    %add3A_171 = vector.broadcast %add3A_170 : i32 to vector<16xi32>
    %add3A_172 = arith.addi %mul3A_169, %add3A_171 : vector<16xi32>
    %gather3A_173 = tpu.vector_load_idx %arg11[%add3A_172] masked %lt3A_138 : memref<3072xf32, #tpu.memory_space<vmem>>[vector<16xi32>], vector<16xf32>, vector<16xi1>
    %mul3A_174 = arith.constant 3 : i32
    %mul3A_175 = vector.broadcast %mul3A_174 : i32 to vector<16xi32>
    %mul3A_176 = arith.muli %and3A_151, %mul3A_175 : vector<16xi32>
    %add3A_177 = arith.constant 2 : i32
    %add3A_178 = vector.broadcast %add3A_177 : i32 to vector<16xi32>
    %add3A_179 = arith.addi %mul3A_176, %add3A_178 : vector<16xi32>
    %gather3A_180 = tpu.vector_load_idx %arg11[%add3A_179] masked %lt3A_138 : memref<3072xf32, #tpu.memory_space<vmem>>[vector<16xi32>], vector<16xf32>, vector<16xi1>
    %mul3A_181 = arith.mulf %get3A_140, %gather3A : vector<16xf32>
    %mul3A_182 = arith.constant 7 : i32
    %mul3A_183 = vector.broadcast %mul3A_182 : i32 to vector<16xi32>
    %mul3A_184 = arith.muli %add3A_135, %mul3A_183 : vector<16xi32>
    tpu.vector_store_idx %arg15[%mul3A_184], %gather3A_155 masked %lt3A_138 : memref<352xf32, #tpu.memory_space<vmem>>[vector<16xi32>], vector<16xf32>, vector<16xi1>
    %add3A_185 = arith.constant 1 : i32
    %add3A_186 = vector.broadcast %add3A_185 : i32 to vector<16xi32>
    %add3A_187 = arith.addi %mul3A_184, %add3A_186 : vector<16xi32>
    tpu.vector_store_idx %arg15[%add3A_187], %gather3A_162 masked %lt3A_138 : memref<352xf32, #tpu.memory_space<vmem>>[vector<16xi32>], vector<16xf32>, vector<16xi1>
    %add3A_188 = arith.constant 2 : i32
    %add3A_189 = vector.broadcast %add3A_188 : i32 to vector<16xi32>
    %add3A_190 = arith.addi %mul3A_184, %add3A_189 : vector<16xi32>
    tpu.vector_store_idx %arg15[%add3A_190], %gather3A_166 masked %lt3A_138 : memref<352xf32, #tpu.memory_space<vmem>>[vector<16xi32>], vector<16xf32>, vector<16xi1>
    %add3A_191 = arith.constant 3 : i32
    %add3A_192 = vector.broadcast %add3A_191 : i32 to vector<16xi32>
    %add3A_193 = arith.addi %mul3A_184, %add3A_192 : vector<16xi32>
    tpu.vector_store_idx %arg15[%add3A_193], %gather3A_173 masked %lt3A_138 : memref<352xf32, #tpu.memory_space<vmem>>[vector<16xi32>], vector<16xf32>, vector<16xi1>
    %add3A_194 = arith.constant 4 : i32
    %add3A_195 = vector.broadcast %add3A_194 : i32 to vector<16xi32>
    %add3A_196 = arith.addi %mul3A_184, %add3A_195 : vector<16xi32>
    tpu.vector_store_idx %arg15[%add3A_196], %gather3A_180 masked %lt3A_138 : memref<352xf32, #tpu.memory_space<vmem>>[vector<16xi32>], vector<16xf32>, vector<16xi1>
    %add3A_197 = arith.constant 5 : i32
    %add3A_198 = vector.broadcast %add3A_197 : i32 to vector<16xi32>
    %add3A_199 = arith.addi %mul3A_184, %add3A_198 : vector<16xi32>
    tpu.vector_store_idx %arg15[%add3A_199], %mul3A_181 masked %lt3A_138 : memref<352xf32, #tpu.memory_space<vmem>>[vector<16xi32>], vector<16xf32>, vector<16xi1>
    %add3A_200 = arith.constant 6 : i32
    %add3A_201 = vector.broadcast %add3A_200 : i32 to vector<16xi32>
    %add3A_202 = arith.addi %mul3A_184, %add3A_201 : vector<16xi32>
    tpu.vector_store_idx %arg15[%add3A_202], %mul3A_181 masked %lt3A_138 : memref<352xf32, #tpu.memory_space<vmem>>[vector<16xi32>], vector<16xf32>, vector<16xi1>
    %add3A_203 = arith.constant 32 : i32
    %add3A_204 = vector.broadcast %add3A_203 : i32 to vector<16xi32>
    %add3A_205 = arith.addi %add3A_204, %iota3A : vector<16xi32>
    %lt3A_206 = arith.constant 50 : i32
    %lt3A_207 = vector.broadcast %lt3A_206 : i32 to vector<16xi32>
    %lt3A_208 = arith.cmpi slt, %add3A_205, %lt3A_207 : vector<16xi32>
    %get3A_209 = arith.constant 32 : index
    %get3A_210 = tpu.vector_load %arg13[%get3A_209] {strides = array<i32>} : memref<64xf32, #tpu.memory_space<vmem>>, vector<16xf32>,
    %get3A_211 = arith.constant 32 : index
    %get3A_212 = tpu.vector_load %arg14[%get3A_211] {strides = array<i32>} : memref<64xi32, #tpu.memory_space<vmem>>, vector<16xi32>,
    %jit3A_213 = arith.constant 0 : i32
    %broadcast_in_dim3A_214 = vector.broadcast %jit3A_213 : i32 to vector<16xi32>
    %select_n3A_215 = arith.select %lt3A_208, %get3A_212, %broadcast_in_dim3A_214 : vector<16xi1>, vector<16xi32>
    %shift_right_logical3A_216 = arith.constant 10 : i32
    %shift_right_logical3A_217 = vector.broadcast %shift_right_logical3A_216 : i32 to vector<16xi32>
    %shift_right_logical3A_218 = arith.shrui %select_n3A_215, %shift_right_logical3A_217 : vector<16xi32>
    %and3A_219 = arith.constant 1023 : i32
    %and3A_220 = vector.broadcast %and3A_219 : i32 to vector<16xi32>
    %and3A_221 = arith.andi %select_n3A_215, %and3A_220 : vector<16xi32>
    %mul3A_222 = arith.constant 2 : i32
    %mul3A_223 = vector.broadcast %mul3A_222 : i32 to vector<16xi32>
    %mul3A_224 = arith.muli %shift_right_logical3A_218, %mul3A_223 : vector<16xi32>
    %gather3A_225 = tpu.vector_load_idx %arg10[%mul3A_224] masked %lt3A_208 : memref<2048xf32, #tpu.memory_space<vmem>>[vector<16xi32>], vector<16xf32>, vector<16xi1>
    %mul3A_226 = arith.constant 2 : i32
    %mul3A_227 = vector.broadcast %mul3A_226 : i32 to vector<16xi32>
    %mul3A_228 = arith.muli %shift_right_logical3A_218, %mul3A_227 : vector<16xi32>
    %add3A_229 = arith.constant 1 : i32
    %add3A_230 = vector.broadcast %add3A_229 : i32 to vector<16xi32>
    %add3A_231 = arith.addi %mul3A_228, %add3A_230 : vector<16xi32>
    %gather3A_232 = tpu.vector_load_idx %arg10[%add3A_231] masked %lt3A_208 : memref<2048xf32, #tpu.memory_space<vmem>>[vector<16xi32>], vector<16xf32>, vector<16xi1>
    %mul3A_233 = arith.constant 3 : i32
    %mul3A_234 = vector.broadcast %mul3A_233 : i32 to vector<16xi32>
    %mul3A_235 = arith.muli %and3A_221, %mul3A_234 : vector<16xi32>
    %gather3A_236 = tpu.vector_load_idx %arg11[%mul3A_235] masked %lt3A_208 : memref<3072xf32, #tpu.memory_space<vmem>>[vector<16xi32>], vector<16xf32>, vector<16xi1>
    %mul3A_237 = arith.constant 3 : i32
    %mul3A_238 = vector.broadcast %mul3A_237 : i32 to vector<16xi32>
    %mul3A_239 = arith.muli %and3A_221, %mul3A_238 : vector<16xi32>
    %add3A_240 = arith.constant 1 : i32
    %add3A_241 = vector.broadcast %add3A_240 : i32 to vector<16xi32>
    %add3A_242 = arith.addi %mul3A_239, %add3A_241 : vector<16xi32>
    %gather3A_243 = tpu.vector_load_idx %arg11[%add3A_242] masked %lt3A_208 : memref<3072xf32, #tpu.memory_space<vmem>>[vector<16xi32>], vector<16xf32>, vector<16xi1>
    %mul3A_244 = arith.constant 3 : i32
    %mul3A_245 = vector.broadcast %mul3A_244 : i32 to vector<16xi32>
    %mul3A_246 = arith.muli %and3A_221, %mul3A_245 : vector<16xi32>
    %add3A_247 = arith.constant 2 : i32
    %add3A_248 = vector.broadcast %add3A_247 : i32 to vector<16xi32>
    %add3A_249 = arith.addi %mul3A_246, %add3A_248 : vector<16xi32>
    %gather3A_250 = tpu.vector_load_idx %arg11[%add3A_249] masked %lt3A_208 : memref<3072xf32, #tpu.memory_space<vmem>>[vector<16xi32>], vector<16xf32>, vector<16xi1>
    %mul3A_251 = arith.mulf %get3A_210, %gather3A : vector<16xf32>
    %mul3A_252 = arith.constant 7 : i32
    %mul3A_253 = vector.broadcast %mul3A_252 : i32 to vector<16xi32>
    %mul3A_254 = arith.muli %add3A_205, %mul3A_253 : vector<16xi32>
    tpu.vector_store_idx %arg15[%mul3A_254], %gather3A_225 masked %lt3A_208 : memref<352xf32, #tpu.memory_space<vmem>>[vector<16xi32>], vector<16xf32>, vector<16xi1>
    %add3A_255 = arith.constant 1 : i32
    %add3A_256 = vector.broadcast %add3A_255 : i32 to vector<16xi32>
    %add3A_257 = arith.addi %mul3A_254, %add3A_256 : vector<16xi32>
    tpu.vector_store_idx %arg15[%add3A_257], %gather3A_232 masked %lt3A_208 : memref<352xf32, #tpu.memory_space<vmem>>[vector<16xi32>], vector<16xf32>, vector<16xi1>
    %add3A_258 = arith.constant 2 : i32
    %add3A_259 = vector.broadcast %add3A_258 : i32 to vector<16xi32>
    %add3A_260 = arith.addi %mul3A_254, %add3A_259 : vector<16xi32>
    tpu.vector_store_idx %arg15[%add3A_260], %gather3A_236 masked %lt3A_208 : memref<352xf32, #tpu.memory_space<vmem>>[vector<16xi32>], vector<16xf32>, vector<16xi1>
    %add3A_261 = arith.constant 3 : i32
    %add3A_262 = vector.broadcast %add3A_261 : i32 to vector<16xi32>
    %add3A_263 = arith.addi %mul3A_254, %add3A_262 : vector<16xi32>
    tpu.vector_store_idx %arg15[%add3A_263], %gather3A_243 masked %lt3A_208 : memref<352xf32, #tpu.memory_space<vmem>>[vector<16xi32>], vector<16xf32>, vector<16xi1>
    %add3A_264 = arith.constant 4 : i32
    %add3A_265 = vector.broadcast %add3A_264 : i32 to vector<16xi32>
    %add3A_266 = arith.addi %mul3A_254, %add3A_265 : vector<16xi32>
    tpu.vector_store_idx %arg15[%add3A_266], %gather3A_250 masked %lt3A_208 : memref<352xf32, #tpu.memory_space<vmem>>[vector<16xi32>], vector<16xf32>, vector<16xi1>
    %add3A_267 = arith.constant 5 : i32
    %add3A_268 = vector.broadcast %add3A_267 : i32 to vector<16xi32>
    %add3A_269 = arith.addi %mul3A_254, %add3A_268 : vector<16xi32>
    tpu.vector_store_idx %arg15[%add3A_269], %mul3A_251 masked %lt3A_208 : memref<352xf32, #tpu.memory_space<vmem>>[vector<16xi32>], vector<16xf32>, vector<16xi1>
    %add3A_270 = arith.constant 6 : i32
    %add3A_271 = vector.broadcast %add3A_270 : i32 to vector<16xi32>
    %add3A_272 = arith.addi %mul3A_254, %add3A_271 : vector<16xi32>
    tpu.vector_store_idx %arg15[%add3A_272], %mul3A_251 masked %lt3A_208 : memref<352xf32, #tpu.memory_space<vmem>>[vector<16xi32>], vector<16xf32>, vector<16xi1>
    %add3A_273 = arith.constant 48 : i32
    %add3A_274 = vector.broadcast %add3A_273 : i32 to vector<16xi32>
    %add3A_275 = arith.addi %add3A_274, %iota3A : vector<16xi32>
    %lt3A_276 = arith.constant 50 : i32
    %lt3A_277 = vector.broadcast %lt3A_276 : i32 to vector<16xi32>
    %lt3A_278 = arith.cmpi slt, %add3A_275, %lt3A_277 : vector<16xi32>
    %get3A_279 = arith.constant 48 : index
    %get3A_280 = tpu.vector_load %arg13[%get3A_279] {strides = array<i32>} : memref<64xf32, #tpu.memory_space<vmem>>, vector<16xf32>,
    %get3A_281 = arith.constant 48 : index
    %get3A_282 = tpu.vector_load %arg14[%get3A_281] {strides = array<i32>} : memref<64xi32, #tpu.memory_space<vmem>>, vector<16xi32>,
    %jit3A_283 = arith.constant 0 : i32
    %broadcast_in_dim3A_284 = vector.broadcast %jit3A_283 : i32 to vector<16xi32>
    %select_n3A_285 = arith.select %lt3A_278, %get3A_282, %broadcast_in_dim3A_284 : vector<16xi1>, vector<16xi32>
    %shift_right_logical3A_286 = arith.constant 10 : i32
    %shift_right_logical3A_287 = vector.broadcast %shift_right_logical3A_286 : i32 to vector<16xi32>
    %shift_right_logical3A_288 = arith.shrui %select_n3A_285, %shift_right_logical3A_287 : vector<16xi32>
    %and3A_289 = arith.constant 1023 : i32
    %and3A_290 = vector.broadcast %and3A_289 : i32 to vector<16xi32>
    %and3A_291 = arith.andi %select_n3A_285, %and3A_290 : vector<16xi32>
    %mul3A_292 = arith.constant 2 : i32
    %mul3A_293 = vector.broadcast %mul3A_292 : i32 to vector<16xi32>
    %mul3A_294 = arith.muli %shift_right_logical3A_288, %mul3A_293 : vector<16xi32>
    %gather3A_295 = tpu.vector_load_idx %arg10[%mul3A_294] masked %lt3A_278 : memref<2048xf32, #tpu.memory_space<vmem>>[vector<16xi32>], vector<16xf32>, vector<16xi1>
    %mul3A_296 = arith.constant 2 : i32
    %mul3A_297 = vector.broadcast %mul3A_296 : i32 to vector<16xi32>
    %mul3A_298 = arith.muli %shift_right_logical3A_288, %mul3A_297 : vector<16xi32>
    %add3A_299 = arith.constant 1 : i32
    %add3A_300 = vector.broadcast %add3A_299 : i32 to vector<16xi32>
    %add3A_301 = arith.addi %mul3A_298, %add3A_300 : vector<16xi32>
    %gather3A_302 = tpu.vector_load_idx %arg10[%add3A_301] masked %lt3A_278 : memref<2048xf32, #tpu.memory_space<vmem>>[vector<16xi32>], vector<16xf32>, vector<16xi1>
    %mul3A_303 = arith.constant 3 : i32
    %mul3A_304 = vector.broadcast %mul3A_303 : i32 to vector<16xi32>
    %mul3A_305 = arith.muli %and3A_291, %mul3A_304 : vector<16xi32>
    %gather3A_306 = tpu.vector_load_idx %arg11[%mul3A_305] masked %lt3A_278 : memref<3072xf32, #tpu.memory_space<vmem>>[vector<16xi32>], vector<16xf32>, vector<16xi1>
    %mul3A_307 = arith.constant 3 : i32
    %mul3A_308 = vector.broadcast %mul3A_307 : i32 to vector<16xi32>
    %mul3A_309 = arith.muli %and3A_291, %mul3A_308 : vector<16xi32>
    %add3A_310 = arith.constant 1 : i32
    %add3A_311 = vector.broadcast %add3A_310 : i32 to vector<16xi32>
    %add3A_312 = arith.addi %mul3A_309, %add3A_311 : vector<16xi32>
    %gather3A_313 = tpu.vector_load_idx %arg11[%add3A_312] masked %lt3A_278 : memref<3072xf32, #tpu.memory_space<vmem>>[vector<16xi32>], vector<16xf32>, vector<16xi1>
    %mul3A_314 = arith.constant 3 : i32
    %mul3A_315 = vector.broadcast %mul3A_314 : i32 to vector<16xi32>
    %mul3A_316 = arith.muli %and3A_291, %mul3A_315 : vector<16xi32>
    %add3A_317 = arith.constant 2 : i32
    %add3A_318 = vector.broadcast %add3A_317 : i32 to vector<16xi32>
    %add3A_319 = arith.addi %mul3A_316, %add3A_318 : vector<16xi32>
    %gather3A_320 = tpu.vector_load_idx %arg11[%add3A_319] masked %lt3A_278 : memref<3072xf32, #tpu.memory_space<vmem>>[vector<16xi32>], vector<16xf32>, vector<16xi1>
    %mul3A_321 = arith.mulf %get3A_280, %gather3A : vector<16xf32>
    %mul3A_322 = arith.constant 7 : i32
    %mul3A_323 = vector.broadcast %mul3A_322 : i32 to vector<16xi32>
    %mul3A_324 = arith.muli %add3A_275, %mul3A_323 : vector<16xi32>
    tpu.vector_store_idx %arg15[%mul3A_324], %gather3A_295 masked %lt3A_278 : memref<352xf32, #tpu.memory_space<vmem>>[vector<16xi32>], vector<16xf32>, vector<16xi1>
    %add3A_325 = arith.constant 1 : i32
    %add3A_326 = vector.broadcast %add3A_325 : i32 to vector<16xi32>
    %add3A_327 = arith.addi %mul3A_324, %add3A_326 : vector<16xi32>
    tpu.vector_store_idx %arg15[%add3A_327], %gather3A_302 masked %lt3A_278 : memref<352xf32, #tpu.memory_space<vmem>>[vector<16xi32>], vector<16xf32>, vector<16xi1>
    %add3A_328 = arith.constant 2 : i32
    %add3A_329 = vector.broadcast %add3A_328 : i32 to vector<16xi32>
    %add3A_330 = arith.addi %mul3A_324, %add3A_329 : vector<16xi32>
    tpu.vector_store_idx %arg15[%add3A_330], %gather3A_306 masked %lt3A_278 : memref<352xf32, #tpu.memory_space<vmem>>[vector<16xi32>], vector<16xf32>, vector<16xi1>
    %add3A_331 = arith.constant 3 : i32
    %add3A_332 = vector.broadcast %add3A_331 : i32 to vector<16xi32>
    %add3A_333 = arith.addi %mul3A_324, %add3A_332 : vector<16xi32>
    tpu.vector_store_idx %arg15[%add3A_333], %gather3A_313 masked %lt3A_278 : memref<352xf32, #tpu.memory_space<vmem>>[vector<16xi32>], vector<16xf32>, vector<16xi1>
    %add3A_334 = arith.constant 4 : i32
    %add3A_335 = vector.broadcast %add3A_334 : i32 to vector<16xi32>
    %add3A_336 = arith.addi %mul3A_324, %add3A_335 : vector<16xi32>
    tpu.vector_store_idx %arg15[%add3A_336], %gather3A_320 masked %lt3A_278 : memref<352xf32, #tpu.memory_space<vmem>>[vector<16xi32>], vector<16xf32>, vector<16xi1>
    %add3A_337 = arith.constant 5 : i32
    %add3A_338 = vector.broadcast %add3A_337 : i32 to vector<16xi32>
    %add3A_339 = arith.addi %mul3A_324, %add3A_338 : vector<16xi32>
    tpu.vector_store_idx %arg15[%add3A_339], %mul3A_321 masked %lt3A_278 : memref<352xf32, #tpu.memory_space<vmem>>[vector<16xi32>], vector<16xf32>, vector<16xi1>
    %add3A_340 = arith.constant 6 : i32
    %add3A_341 = vector.broadcast %add3A_340 : i32 to vector<16xi32>
    %add3A_342 = arith.addi %mul3A_324, %add3A_341 : vector<16xi32>
    tpu.vector_store_idx %arg15[%add3A_342], %mul3A_321 masked %lt3A_278 : memref<352xf32, #tpu.memory_space<vmem>>[vector<16xi32>], vector<16xf32>, vector<16xi1>
    "tpu.region"() ({
      %run_scoped3A = tpu.sem_alloc : memref<!tpu.dma_semaphore, #tpu.memory_space<semaphore_mem>>
      %dma_start3A = arith.constant 0 : i32
      %dma_start3A_343 = tpu.memref_slice %arg6[%add3A, %dma_start3A] : memref<32x352xf32, #tpu.memory_space<hbm>> -> memref<1x352xf32, #tpu.memory_space<hbm>>
      %dma_start3A_344 = tpu.memref_squeeze %dma_start3A_343 : memref<1x352xf32, #tpu.memory_space<hbm>> -> memref<352xf32, #tpu.memory_space<hbm>>
      %dma_start3A_345 = arith.constant 0 : i32
      %dma_start3A_346 = tpu.memref_slice %arg6[%add3A, %dma_start3A_345] : memref<32x352xf32, #tpu.memory_space<hbm>> -> memref<1x352xf32, #tpu.memory_space<hbm>>
      %dma_start3A_347 = tpu.memref_squeeze %dma_start3A_346 : memref<1x352xf32, #tpu.memory_space<hbm>> -> memref<352xf32, #tpu.memory_space<hbm>>
      tpu.enqueue_dma source(%arg15 : memref<352xf32, #tpu.memory_space<vmem>>) target(%dma_start3A_347 : memref<352xf32, #tpu.memory_space<hbm>>) target_semaphore(%run_scoped3A : memref<!tpu.dma_semaphore, #tpu.memory_space<semaphore_mem>>)
      %dma_wait3A = arith.constant 0 : i32
      %dma_wait3A_348 = tpu.memref_slice %arg6[%add3A, %dma_wait3A] : memref<32x352xf32, #tpu.memory_space<hbm>> -> memref<1x352xf32, #tpu.memory_space<hbm>>
      %dma_wait3A_349 = tpu.memref_squeeze %dma_wait3A_348 : memref<1x352xf32, #tpu.memory_space<hbm>> -> memref<352xf32, #tpu.memory_space<hbm>>
      %dma_wait3A_350 = arith.constant 0 : i32
      %dma_wait3A_351 = tpu.memref_slice %arg6[%add3A, %dma_wait3A_350] : memref<32x352xf32, #tpu.memory_space<hbm>> -> memref<1x352xf32, #tpu.memory_space<hbm>>
      %dma_wait3A_352 = tpu.memref_squeeze %dma_wait3A_351 : memref<1x352xf32, #tpu.memory_space<hbm>> -> memref<352xf32, #tpu.memory_space<hbm>>
      tpu.wait_dma2 semaphore(%run_scoped3A : memref<!tpu.dma_semaphore, #tpu.memory_space<semaphore_mem>>) src(%arg15 : memref<352xf32, #tpu.memory_space<vmem>>) dst(%dma_wait3A_352 : memref<352xf32, #tpu.memory_space<hbm>>)
      tpu.yield
    }) : () -> ()
    return
  }
}

</mosaic_0001>

<sc_bundles>
// kernel: _run.3.cloned.1.call-start
scs
__scs_entry_jumppad:
0x0: {  	(pc) =	sbr.rel $0x88, $3  }
0x1: {  	(tag) =	ssettag $0x0;
	lr =	simm.s32 $0x1  }
0x2: {  	[smem:$0x3F9D] =	sst lr;
	_ =	strace $0xD0000000  }
0x3: {  	_ = 	snop  }
0x4: {  	_ = 	snop  }
0x5: {  	_ = 	snop  }
0x6: {  	_ = 	snop  }
0x7: {  	_ = 	snop  }
__scs_overlays_trampoline_lowered:
0x8: {  	[smem:$0x3FAC] =	sst s0  }
0x9: {  	[smem:$0x3FAD] =	sst s1  }
0xa: {  	[smem:$0x3FAE] =	sst s2  }
0xb: {  	[smem:$0x3FAF] =	sst s3  }
0xc: {  	[smem:$0x3FB0] =	sst s4  }
0xd: {  	[smem:$0x3FB1] =	sst s5  }
0xe: {  	[smem:$0x3FB2] =	sst s6  }
0xf: {  	[smem:$0x3FB3] =	sst s7  }
0x10: {  	[smem:$0x3FB4] =	sst s8  }
0x11: {  	[smem:$0x3FB5] =	sst s9;
	s0 =	simm.s32 @!p0 $0x0  }
0x12: {  	s1 =	sld [smem:$0x3F9B];
	s0 =	simm.s32 @p0 $0x1  }
0x13: {  	[smem:$0x3FB6] =	sst s0;
	s0 =	simm.s32 @!p1 $0x0  }
0x14: {  	s2 =	sld [smem:$0x3F9A];
	s0 =	simm.s32 @p1 $0x1  }
0x15: {  	[smem:$0x3FB7] =	sst s0;
	s0 =	simm.s32 @!p2 $0x0  }
0x16: {  	s3 =	sld [smem:$0x3FDB];
	s0 =	simm.s32 @p2 $0x1  }
0x17: {  	s4 =	simm.s32 $0x1BF5;
	[smem:$0x3FB9] =	sst s0  }
0x18: {  	s0 =	sld [smem:$0x3F9C];
	_ =	swait.ge [sflag:s4], $0x0  }
0x19: {  	s7 =	sld [smem:$0x3F9D]  }
0x1a: {  	s8 =	sadd.s32 $0xFFFFE003, lr  }
0x1b: {  	s9 =	sadd.s32 $0xFFFFFEF7, lr;
	s5 =	simm.s32 $0xFFFFFFFF;
	p2 =	slt.u32 s8, $0xFFFFF086  }
0x1c: {  	p1 =	slt.u32 s9, $0xF7A;
	s5 =	simm.s32 @!p2 $0x0  }
0x1d: {  	s5 =	simm.s32 @p1 $0x1;
	p0 =	seq.s32 s7, s2  }
0x1e: {  	s7 =	smul.u32 @!p0 $0xF7A, s2;
	p2 =	seq.s32 @!p0 s5, $0x0  }
0x1f: {  	s9 =	smul.u32 $0xF7A, s1;
	s8 =	simm.s32 @!p0 $0x1BF5;
	p2 =	por !p2, p0  }
0x20: {  	[sflag:s8] =	ssyncset.s32 @!p0 $0xFFFFF086;
	s6 =	sadd.s32 @!p0 s3, s7;
	s7 =	simm.s32 @!p0 $0x108  }
0x21: {  	s3 =	sadd.s32 s3, s9;
	s6 =	sadd.s32 @!p0 $0x88, s6;
	s7 =	simm.s32 @p2 $0x1082  }
0x22: {  	[simem:s7], [sflag:s8] =	dma.local @!p0 [hbm:s6], $0xF7A  }
0x23: {  	s9 =	sor.u32 $0xD0000000, s2;
	s6 =	simm.s32 $0x108;
	_ =	swait.ge @!p0 [sflag:s8], $0x0  }
0x24: {  	s3 =	sadd.s32 $0x88, s3;
	s6 =	simm.s32 @!p1 $0x1082;
	[sflag:s4] =	ssyncset.s32 $0xFFFFF086  }
0x25: {  	[simem:s6], [sflag:s4] =	dma.local [hbm:s3], $0xF7A  }
0x26: {  	[smem:$0x3F9D] =	sst s1;
	(tag) =	ssettag s2;
	_ =	strace s9  }
0x27: {  	s1 =	sld [smem:$0x3FAD]  }
0x28: {  	s2 =	sld [smem:$0x3FAE]  }
0x29: {  	s4 =	sld [smem:$0x3FB0]  }
0x2a: {  	p0 =	seq.s32 s5, $0x0;
	s5 =	sld [smem:$0x3FB1]  }
0x2b: {  	s6 =	sld [smem:$0x3FB2]  }
0x2c: {  	s7 =	sld [smem:$0x3FB3]  }
0x2d: {  	s3 =	simm.s32 $0x108;
	s8 =	sld [smem:$0x3FB4]  }
0x2e: {  	s3 =	simm.s32 @!p0 $0x1082;
	s9 =	sld [smem:$0x3FB5]  }
0x2f: {  	lr =	sadd.s32 s0, s3;
	s0 =	sld [smem:$0x3FAC]  }
0x30: {  	s3 =	sld [smem:$0x3FAF]  }
0x31: {  	[smem:$0x3FB8] =	sst s10  }
0x32: {  	s10 =	sld [smem:$0x3FB6];
	_ =	sdelay $0x3  }
0x33: {  	p0 =	seq.s32 s10, $0x1;
	s10 =	sld [smem:$0x3FB8];
	_ =	sdelay $0x3  }
0x34: {  	[smem:$0x3FB8] =	sst s10  }
0x35: {  	s10 =	sld [smem:$0x3FB7];
	_ =	sdelay $0x3  }
0x36: {  	p1 =	seq.s32 s10, $0x1;
	s10 =	sld [smem:$0x3FB8];
	_ =	sdelay $0x3  }
0x37: {  	[smem:$0x3FB8] =	sst s10  }
0x38: {  	s10 =	sld [smem:$0x3FB9]  }
0x39: {  	_ = 	snop;
	(pc) =	sbr.ind lr, $3  }
0x3a: {  	_ = 	snop  }
0x3b: {  	_ = 	snop  }
0x3c: {  	p2 =	seq.s32 s10, $0x1;
	s10 =	sld [smem:$0x3FB8]  }
0x3d: {  	_ =	shalt  }
0x3e: {  	_ =	shalt  }
0x3f: {  	_ =	shalt  }
0x40: {  	_ =	shalt  }
0x41: {  	_ =	shalt  }
0x42: {  	_ =	shalt  }
0x43: {  	_ =	shalt  }
0x44: {  	_ =	shalt  }
0x45: {  	_ =	shalt  }
0x46: {  	_ =	shalt  }
0x47: {  	_ =	shalt  }
0x48: {  	_ =	shalt  }
0x49: {  	_ =	shalt  }
0x4a: {  	_ =	shalt  }
0x4b: {  	_ =	shalt  }
0x4c: {  	_ =	shalt  }
0x4d: {  	_ =	shalt  }
0x4e: {  	_ =	shalt  }
0x4f: {  	_ =	shalt  }
0x50: {  	_ =	shalt  }
0x51: {  	_ =	shalt  }
0x52: {  	_ =	shalt  }
0x53: {  	_ =	shalt  }
0x54: {  	_ =	shalt  }
0x55: {  	_ =	shalt  }
0x56: {  	_ =	shalt  }
0x57: {  	_ =	shalt  }
0x58: {  	_ =	shalt  }
0x59: {  	_ =	shalt  }
0x5a: {  	_ =	shalt  }
0x5b: {  	_ =	shalt  }
0x5c: {  	_ =	shalt  }
0x5d: {  	_ =	shalt  }
0x5e: {  	_ =	shalt  }
0x5f: {  	_ =	shalt  }
0x60: {  	_ =	shalt  }
0x61: {  	_ =	shalt  }
0x62: {  	_ =	shalt  }
0x63: {  	_ =	shalt  }
0x64: {  	_ =	shalt  }
0x65: {  	_ =	shalt  }
0x66: {  	_ =	shalt  }
0x67: {  	_ =	shalt  }
0x68: {  	_ =	shalt  }
0x69: {  	_ =	shalt  }
0x6a: {  	_ =	shalt  }
0x6b: {  	_ =	shalt  }
0x6c: {  	_ =	shalt  }
0x6d: {  	_ =	shalt  }
0x6e: {  	_ =	shalt  }
0x6f: {  	_ =	shalt  }
0x70: {  	_ =	shalt  }
0x71: {  	_ =	shalt  }
0x72: {  	_ =	shalt  }
0x73: {  	_ =	shalt  }
0x74: {  	_ =	shalt  }
0x75: {  	_ =	shalt  }
0x76: {  	_ =	shalt  }
0x77: {  	_ =	shalt  }
0x78: {  	_ =	shalt  }
0x79: {  	_ =	shalt  }
0x7a: {  	_ =	shalt  }
0x7b: {  	_ =	shalt  }
0x7c: {  	_ =	shalt  }
0x7d: {  	_ =	shalt  }
0x7e: {  	_ =	shalt  }
0x7f: {  	_ =	shalt  }
0x80: {  	_ =	shalt  }
0x81: {  	_ =	shalt  }
0x82: {  	_ =	shalt  }
0x83: {  	_ =	shalt  }
0x84: {  	_ =	shalt  }
0x85: {  	_ =	shalt  }
0x86: {  	_ =	shalt  }
0x87: {  	_ =	shalt  }
.Lfunc_end0:
.L_simem_size_0:
called_computation_lowered:
.L_overlay_start_0:
0x88: {  	s2 =	sld [smem:$0x3FD9]  }
0x89: {  	s3 =	sld [smem:$0x3FFE];
	_ =	sdelay $0x1  }
0x8a: {  	s1 =	srdreg.scid  }
0x8b: {  	s0 =	sand.u32 $0x1, s1  }
0x8c: {  	s18 =	sshll.u32 s0, $0xA;
	s2 =	sadd.s32 s3, s2  }
0x8d: {  	s2 =	sadd.s32 s2, s18  }
0x8e: {  	[smem:$0x3FC4] =	sst s2  }
0x8f: {  	_ = 	snop  }
0x90: {  	s2 =	sld [smem:$0x3FC9]  }
0x91: {  	s19 =	sld [smem:$0x3FC8]  }
0x92: {  	s4 =	sld [smem:$0x3FC7]  }
0x93: {  	s5 =	sld [smem:$0x3FC6]  }
0x94: {  	s6 =	sld [smem:$0x3FD0];
	(tm) =	ssettm $0x1  }
0x95: {  	s7 =	sld [smem:$0x3FFB];
	_ =	sdelay $0x3  }
0x96: {  	_ =	strace s7  }
0x97: {  	s7 =	sld [smem:$0x3FFC];
	_ =	sdelay $0x3  }
0x98: {  	_ =	strace s7  }
0x99: {  	s7 =	sld [smem:$0x3FFD];
	_ =	sdelay $0x3  }
0x9a: {  	_ =	strace s7  }
0x9b: {  	_ =	strace $0x8FFFFFFF  }
0x9c: {  	s20 =	sld [smem:$0x3FDB];
	_ =	sdelay $0x1  }
0x9d: {  	s8 =	simm.s32 $_scs_section_size  }
0x9e: {  	s9 =	simm.s32 $_size__tile_overlayer_lowered;
	s10 =	simm.s32 $_tile_overlayer_lowered  }
0x9f: {  	s23 =	simm.s32 $0x1BFF;
	s22 =	sshll.u32 s10, $0x1;
	s7 =	sadd.s32 s8, s20  }
0xa0: {  	s11 =	simm.s32 $0x0;
	s21 =	sshll.u32 s9, $0x1;
	s9 =	sadd.s32 s22, s7  }
0xa1: {  	[timem:s11], [sflag:s23] =	dma.local [hbm:s9], s21  }
0xa2: {  	_ =	swait.ge [sflag:s23], s21  }
0xa3: {  	s8 =	ssub.s32 $0x0, s21;
	[sflag:s23] =	ssyncset.done $0x0  }
0xa4: {  	[sflag:s23] =	ssyncadd.s32 s8;
	_ =	sdelay $0x1  }
0xa5: {  	s24 =	simm.s32 $0x1B8B  }
0xa6: {  	_ =	swait.ge [sflag:s24], $0x1  }
0xa7: {  	[sflag:s24] =	ssyncset.done $0x0  }
0xa8: {  	s25 =	simm.s32 $0x1B8E;
	[sflag:s24] =	ssyncadd.s32 $0xFFFFFFFF  }
0xa9: {  	s26 =	simm.s32 $execute0_lowered;
	[smem:$0x3FD2] =	sst s25  }
0xaa: {  	s8 =	sshll.u32 s26, $0x1;
	_ =	strace $0x80000046;
	[dreg:$0x1] =	wrdreg $0xFFFFFFFF  }
0xab: {  	s28 =	simm.s32 $_size_execute0_lowered;
	s7 =	sadd.s32 s7, s8;
	[dreg:$0x0] =	wrdreg $0x0  }
0xac: {  	s8 =	sshll.u32 s28, $0x1;
	[dreg:$0x2] =	wrdreg s7  }
0xad: {  	[dreg:$0x3] =	wrdreg s8  }
0xae: {  	[dreg:$0x4] =	wrdreg $0xC0  }
0xaf: {  	_ =	task [dreg:s11], $0x5FFFF  }
0xb0: {  	[dreg:$0x1] =	wrdreg $0xFFFFFFFF  }
0xb1: {  	[dreg:$0x0] =	wrdreg $0x60  }
0xb2: {  	[dreg:$0x2] =	wrdreg s2  }
0xb3: {  	[dreg:$0x3] =	wrdreg s19  }
0xb4: {  	[dreg:$0x4] =	wrdreg s4  }
0xb5: {  	[dreg:$0x5] =	wrdreg s5  }
0xb6: {  	[dreg:$0x6] =	wrdreg s6  }
0xb7: {  	[dreg:$0x7] =	wrdreg $0x9  }
0xb8: {  	_ =	task.clear_ibuf [dreg:s11], $0x8FFFF;
	_ =	strace $0x90000046  }
0xb9: {  	s29 =	simm.s32 $0x9;
	_ =	strace $0x80000048  }
0xba: {  	_ =	swait.ge [sflag:s29], $0x1  }
0xbb: {  	[sflag:s29] =	ssyncadd.s32 $0xFFFFFFFF  }
0xbc: {  	_ =	strace $0x90000048  }
0xbd: {  	_ =	sfence  }
0xbe: {  	s30 =	sld [smem:$0x0];
	_ =	sdelay $0x2  }
0xbf: {  	s31 =	sshll.u32 s1, $0xD;
	s1 =	sshrl.u32 s1, $0x2  }
0xc0: {  	s3 =	sand.u32 $0x4000, s31;
	s1 =	sadd.s32 s1, s30  }
0xc1: {  	s0 =	sor.u32 s3, s0;
	s1 =	sshll.u32 s1, $0x11  }
0xc2: {  	s0 =	sor.u32 s1, s0  }
0xc3: {  	s0 =	sadd.s32 $0x8F2B, s0  }
0xc4: {  	[sflag:s0] =	ssyncadd.remote.s32 $0x1  }
0xc5: {  	_ =	sfence.sel $0xFFFF  }
0xc6: {  	[dreg:$0x0] =	wrdreg $0xFFFFFFFF;
	(pc) =	sbr.abs _section_cstart, $3  }
0xc7: {  	[dreg:$0x1] =	wrdreg $0xFFFFFFFF  }
0xc8: {  	_ =	task.clear_ibuf [dreg:s11], $0x2FFFF;
	_ =	strace $0x9FFFFFFF  }
0xc9: {  	(tm) =	ssettm $0x7FFFFFFF  }
tec
execute0_lowered:
.L_overlay_start_1:
0x0: {  	(tag) =	ssettag $0x1  }
0x1: {  	s1 =	rddreg [dreg:$0x0]  }
0x2: {  	s0 =	rddreg [dreg:$0x1]  }
0x3: {  	s2 =	rddreg [dreg:$0x2];
	s4 =	simm.s32 $0x0  }
0x4: {  	[smem:$0x7FF] =	sst s4  }
0x5: {  	s3 =	rddreg [dreg:$0x4];
	v0 =	vimm.f32 $-1.000000000e+00;
	_ =	strace $0x80000047  }
0x6: {  	v1 =	vimm.s32 $0xFFFFFFFF;
	(xrf0) =	vmax.scan.msk.f32 $0xffff, v0  }
0x7: {  	(xrf0) =	vmin.scan.msk.u32 $0xffff, v1;
	_ =	sdelay $0x4  }
0x8: {  	v4, _, _ =	vpop (xrf0)  }
0x9: {  	v1, _, _ =	vpop (xrf0)  }
0xa: {  	(v2sf) =	vpush v1, $0xF;
	_ =	sdelay $0x3  }
0xb: {  	s26 =	srdreg.scid  }
0xc: {  	s7 =	stileid.u32;
	s12 =	simm.s32 $0x9500;
	s13 =	simm.s32 $0x1  }
0xd: {  	s14 =	simm.s32 $0x9D00;
	s15 =	simm.s32 $0xA900;
	s17 =	simm.s32 $0xA980  }
0xe: {  	s18 =	simm.s32 $0xAA00;
	s19 =	simm.s32 $0xAA80;
	s20 =	simm.s32 $0x0  }
0xf: {  	s4 =	sand.u32 $0x1, s26;
	s5 =	sshll.u32 s7, $0x1;
	s7 =	sshrl.u32 s7, $0x2  }
0x10: {  	s6 =	sor.u32 s4, s5;
	s28 =	sshll.u32 s7, $0xE;
	s9 =	smul.u32 $0x6000, s7  }
0x11: {  	s4 =	ssub.s32 $0x2, s4;
	s11 =	smul.u32 $0xC00, s7;
	s5 =	sshll.u32 s6, $0x7;
	v1 =	vlaneseq.u32  }
0x12: {  	v6 =	vimm.f32 $0.0e+00;
	s7 =	sshll.u32 s7, $0x17;
	s10 =	sshrl.u32 s4, $0x1;
	s8 =	sand.u32 $0x380, s5;
	v3 =	vmul.u32 $0x7, v1  }
0x13: {  	vm0 =	vmmov $0x3;
	v2 =	vmov s6;
	s4 =	ssub.s32 s4, s10;
	s10 =	simm.s32 $0x80;
	s5 =	sor.u32 s28, s8;
	v4 =	vbroadcast v4, $0xF  }
.Ltmp0:
0x14: {  	s9 =	sor.u32 s9, s8;
	s30 =	sor.u32 s11, s8;
	v7 =	vadd.s32 $0x1, v3;
	v8 =	vadd.s32 $0x2, v3;
	v9 =	vadd.s32 $0x3, v3;
	(pc) =	sbr.rel .LBB2_1-.Ltmp0, $4  }
0x15: {  	s7 =	sor.u32 s8, s7;
	s11 =	simm.s32 $0x400;
	s5 =	sshrl.u32 s5, $0x3;
	v10 =	vadd.s32 $0x4, v3;
	v11 =	vadd.s32 $0x5, v3;
	v12 =	vadd.s32 $0x6, v3  }
0x16: {  	s9 =	sshrl.u32 s9, $0x3;
	s0 =	sadd.s32 s0, s5;
	v13 =	vadd.s32 $0x70, v3;
	v14 =	vadd.s32 $0x71, v3;
	v15 =	vadd.s32 $0x72, v3;
	s29 =	spop (v2sf)  }
0x17: {  	s31 =	sshrl.u32 s30, $0x3;
	[dreg:$0x6] =	wrdreg s0;
	v16 =	vadd.s32 $0x73, v3;
	v17 =	vadd.s32 $0x74, v3;
	v18 =	vadd.s32 $0x75, v3;
	s0 =	sxor.u32 $0x80000000, s29  }
0x18: {  	s6 =	sadd.s32 s2, s9;
	s8 =	sadd.s32 s3, s31;
	s9 =	smax.u32 s4, $0x1;
	v19 =	vadd.s32 $0x76, v3;
	v20 =	vadd.s32 $0xE0, v3;
	v5 =	vmov s0  }
.LBB2_68:
0x19: {  	v21 =	vld [tilespmem:$0xAA00];
	_ =	sdelay $0x4  }
0x1a: {  	v22 =	vshrl.u32 v21, $0x9  }
0x1b: {  	v21 =	vand.u32 $0x3FF, v21;
	v23 =	vand.u32 $0x7FFFFE, v22  }
0x1c: {  	v22 =	vor.u32 $0x1, v22;
	v21 =	vmul.u32 $0x3, v21;
	_ =	sdelay $0x1  }
0x1d: {  	v24 =	vld.idx.msk [tilespmem:v2+s15+$0x0], $0xffff;
	v25 =	vadd.s32 $0x1, v21  }
0x1e: {  	v26 =	vld [tilespmem:$0xA980];
	v27 =	vadd.s32 $0x2, v21  }
0x1f: {  	v23 =	vld.idx.msk [tilespmem:v23+s12+$0x0], $0xffff  }
0x20: {  	v22 =	vld.idx.msk [tilespmem:v22+s12+$0x0], $0xffff  }
0x21: {  	v21 =	vld.idx.msk [tilespmem:v21+s14+$0x0], $0xffff  }
0x22: {  	v25 =	vld.idx.msk [tilespmem:v25+s14+$0x0], $0xffff  }
0x23: {  	v27 =	vld.idx.msk [tilespmem:v27+s14+$0x0], $0xffff  }
0x24: {  	[tilespmem:v3+s19+$0x0] =	vst.idx.msk $0xffff, v23  }
0x25: {  	[tilespmem:v7+s19+$0x0] =	vst.idx.msk $0xffff, v22  }
0x26: {  	[tilespmem:v8+s19+$0x0] =	vst.idx.msk $0xffff, v21  }
0x27: {  	v21 =	vmul.f32 v26, v24;
	[tilespmem:v9+s19+$0x0] =	vst.idx.msk $0xffff, v25  }
0x28: {  	[tilespmem:v10+s19+$0x0] =	vst.idx.msk $0xffff, v27  }
0x29: {  	[tilespmem:v11+s19+$0x0] =	vst.idx.msk $0xffff, v21  }
0x2a: {  	[tilespmem:v12+s19+$0x0] =	vst.idx.msk $0xffff, v21  }
0x2b: {  	v21 =	vld [tilespmem:$0xAA10];
	_ =	sdelay $0x4  }
0x2c: {  	v22 =	vshrl.u32 v21, $0x9  }
0x2d: {  	v21 =	vand.u32 $0x3FF, v21;
	v23 =	vand.u32 $0x7FFFFE, v22  }
0x2e: {  	v22 =	vor.u32 $0x1, v22;
	v21 =	vmul.u32 $0x3, v21;
	_ =	sdelay $0x1  }
0x2f: {  	v51 =	vadd.s32 $0x1, v21  }
0x30: {  	v52 =	vld [tilespmem:$0xA990];
	v53 =	vadd.s32 $0x2, v21  }
0x31: {  	v23 =	vld.idx.msk [tilespmem:v23+s12+$0x0], $0xffff  }
0x32: {  	v22 =	vld.idx.msk [tilespmem:v22+s12+$0x0], $0xffff  }
0x33: {  	v21 =	vld.idx.msk [tilespmem:v21+s14+$0x0], $0xffff  }
0x34: {  	v25 =	vld.idx.msk [tilespmem:v51+s14+$0x0], $0xffff  }
0x35: {  	v27 =	vld.idx.msk [tilespmem:v53+s14+$0x0], $0xffff  }
0x36: {  	[tilespmem:v13+s19+$0x0] =	vst.idx.msk $0xffff, v23  }
0x37: {  	[tilespmem:v14+s19+$0x0] =	vst.idx.msk $0xffff, v22  }
0x38: {  	[tilespmem:v15+s19+$0x0] =	vst.idx.msk $0xffff, v21  }
0x39: {  	v21 =	vmul.f32 v52, v24;
	[tilespmem:v16+s19+$0x0] =	vst.idx.msk $0xffff, v25  }
0x3a: {  	[tilespmem:v17+s19+$0x0] =	vst.idx.msk $0xffff, v27  }
0x3b: {  	[tilespmem:v18+s19+$0x0] =	vst.idx.msk $0xffff, v21  }
0x3c: {  	[tilespmem:v19+s19+$0x0] =	vst.idx.msk $0xffff, v21  }
0x3d: {  	v21 =	vld [tilespmem:$0xAA20];
	_ =	sdelay $0x4  }
0x3e: {  	v22 =	vshrl.u32 v21, $0x9  }
0x3f: {  	v21 =	vand.u32 $0x3FF, v21;
	v23 =	vand.u32 $0x7FFFFE, v22  }
0x40: {  	v22 =	vor.u32 $0x1, v22;
	v21 =	vmul.u32 $0x3, v21;
	_ =	sdelay $0x1  }
0x41: {  	v54 =	vadd.s32 $0x1, v21  }
0x42: {  	v55 =	vld [tilespmem:$0xA9A0];
	v56 =	vadd.s32 $0x2, v21  }
0x43: {  	v23 =	vld.idx.msk [tilespmem:v23+s12+$0x0], $0xffff  }
0x44: {  	v28 =	vadd.s32 $0xE1, v3;
	v22 =	vld.idx.msk [tilespmem:v22+s12+$0x0], $0xffff  }
0x45: {  	v29 =	vadd.s32 $0xE2, v3;
	v21 =	vld.idx.msk [tilespmem:v21+s14+$0x0], $0xffff  }
0x46: {  	v30 =	vadd.s32 $0xE3, v3;
	v25 =	vld.idx.msk [tilespmem:v54+s14+$0x0], $0xffff  }
0x47: {  	v31 =	vadd.s32 $0xE4, v3;
	v27 =	vld.idx.msk [tilespmem:v56+s14+$0x0], $0xffff  }
0x48: {  	[tilespmem:v20+s19+$0x0] =	vst.idx.msk $0xffff, v23;
	v23 =	vadd.s32 $0xE5, v3  }
0x49: {  	[tilespmem:v28+s19+$0x0] =	vst.idx.msk $0xffff, v22;
	v22 =	vadd.s32 $0xE6, v3  }
0x4a: {  	[tilespmem:v29+s19+$0x0] =	vst.idx.msk $0xffff, v21  }
0x4b: {  	v21 =	vmul.f32 v55, v24;
	[tilespmem:v30+s19+$0x0] =	vst.idx.msk $0xffff, v25  }
0x4c: {  	[tilespmem:v31+s19+$0x0] =	vst.idx.msk $0xffff, v27  }
0x4d: {  	[tilespmem:v23+s19+$0x0] =	vst.idx.msk $0xffff, v21  }
0x4e: {  	[tilespmem:v22+s19+$0x0] =	vst.idx.msk $0xffff, v21  }
0x4f: {  	v21 =	vld [tilespmem:$0xAA30];
	_ =	sdelay $0x4  }
0x50: {  	v21 =	vnsel vm0, $0x0, v21  }
0x51: {  	v22 =	vshrl.u32 v21, $0x9  }
0x52: {  	v21 =	vand.u32 $0x3FF, v21;
	v23 =	vand.u32 $0x7FFFFE, v22  }
0x53: {  	v22 =	vor.u32 $0x1, v22;
	v21 =	vmul.u32 $0x3, v21;
	_ =	sdelay $0x1  }
0x54: {  	v57 =	vadd.s32 $0x1, v21  }
0x55: {  	v58 =	vld [tilespmem:$0xA9B0];
	v59 =	vadd.s32 $0x2, v21  }
0x56: {  	v60 =	vadd.s32 $0x150, v3;
	v23 =	vld.idx.msk [tilespmem:v23+s12+$0x0], $0x3  }
0x57: {  	v61 =	vadd.s32 $0x151, v3;
	v22 =	vld.idx.msk [tilespmem:v22+s12+$0x0], $0x3  }
0x58: {  	v62 =	vadd.s32 $0x152, v3;
	v21 =	vld.idx.msk [tilespmem:v21+s14+$0x0], $0x3  }
0x59: {  	v63 =	vadd.s32 $0x153, v3;
	v25 =	vld.idx.msk [tilespmem:v57+s14+$0x0], $0x3  }
0x5a: {  	v32 =	vadd.s32 $0x154, v3;
	v27 =	vld.idx.msk [tilespmem:v59+s14+$0x0], $0x3  }
0x5b: {  	[tilespmem:v60+s19+$0x0] =	vst.idx.msk $0x3, v23;
	v23 =	vadd.s32 $0x155, v3  }
0x5c: {  	[tilespmem:v61+s19+$0x0] =	vst.idx.msk $0x3, v22;
	v22 =	vadd.s32 $0x156, v3  }
0x5d: {  	[tilespmem:v62+s19+$0x0] =	vst.idx.msk $0x3, v21  }
0x5e: {  	v21 =	vmul.f32 v58, v24;
	[tilespmem:v63+s19+$0x0] =	vst.idx.msk $0x3, v25  }
0x5f: {  	s20 =	sadd.s32 $0x1, s20;
	[tilespmem:v32+s19+$0x0] =	vst.idx.msk $0x3, v27  }
0x60: {  	p0 =	sne.s32 s20, s9;
	[tilespmem:v23+s19+$0x0] =	vst.idx.msk $0x3, v21  }
.Ltmp1:
0x61: {  	[tilespmem:v22+s19+$0x0] =	vst.idx.msk $0x3, v21;
	(pc) =	sbr.rel @!p0 .LBB2_69-.Ltmp1, $4  }
0x62: {  	[hbm4b:s8+s10] =	stream.strided.scatter [tilespmem:s19], [sflag:$0x1], $0x180, s11, s10, $0x38;
	[tilespmem:$0xAC00] =	vst v63  }
0x63: {  	_ =	swait.ge [sflag:s13], $0x180  }
0x64: {  	[sflag:s13] =	ssyncset.done $0x0  }
0x65: {  	[sflag:s13] =	ssyncadd.s32 $0xFFFFFE80  }
.LBB2_1:
0x66: {  	s0 =	rddreg [dreg:$0x6]  }
0x67: {  	[tilespmem:s12], [sflag:$0x1] =	stream.strided.gather [hbm4b:s0+s10], $0x800, s11, s10, $0x38;
	[tilespmem:$0xAC00] =	vst v63  }
0x68: {  	_ =	swait.ge [sflag:s13], $0x800  }
0x69: {  	[sflag:s13] =	ssyncset.done $0x0  }
0x6a: {  	[sflag:s13] =	ssyncadd.s32 $0xFFFFF800  }
0x6b: {  	[tilespmem:s14], [sflag:$0x1] =	stream.strided.gather [hbm4b:s6+s10], $0xC00, s11, s10, $0x38;
	[tilespmem:$0xAC00] =	vst v63  }
0x6c: {  	_ =	swait.ge [sflag:s13], $0xC00  }
0x6d: {  	[sflag:s13] =	ssyncset.done $0x0  }
0x6e: {  	[sflag:s13] =	ssyncadd.s32 $0xFFFFF400  }
0x6f: {  	s2 =	simm.s32 $0x0;
	s30 =	rddreg [dreg:$0x3]  }
0x70: {  	[tilespmem:s15], [sflag:$0x1] =	stream.linear.gather [hbm4b:s30+s2], $0x80, $0x38;
	[tilespmem:$0xAC00] =	vst v63  }
.Ltmp2:
0x71: {  	_ =	swait.ge [sflag:s13], $0x80;
	(pc) =	sbr.rel .LBB2_2-.Ltmp2, $4  }
0x72: {  	[sflag:s13] =	ssyncset.done $0x0  }
0x73: {  	[sflag:s13] =	ssyncadd.s32 $0xFFFFFF80  }
0x74: {  	s31 =	simm.s32 $0xBF800000;
	s21 =	simm.s32 $0x0;
	[smem:$0x0] =	sst s2  }
0x75: {  	s22 =	simm.s32 $0x0;
	s0 =	simm.f32 $-1.000000000e+00;
	[smem:$0x80] =	sst s31  }
.LBB2_35:
0x76: {  	s22 =	sadd.s32 $0x1, s22  }
0x77: {  	p0 =	sne.s32 s22, $0x20  }
.Ltmp3:
0x78: {  	_ = 	snop;
	(pc) =	sbr.rel @!p0 .LBB2_36-.Ltmp3, $2  }
0x79: {  	_ =	sdelay $0x2  }
0x7a: {  	s21 =	sadd.s32 $0x8000, s21  }
.LBB2_2:
0x7b: {  	s2 =	sshll.u32 s22, $0x12  }
0x7c: {  	s2 =	sadd.s32 s7, s2  }
0x7d: {  	s2 =	sshrl.u32 s2, $0x3  }
.Ltmp4:
0x7e: {  	s23 =	simm.s32 $0x0;
	s2 =	sadd.s32 s1, s2;
	(pc) =	sbr.rel .LBB2_3-.Ltmp4, $4  }
0x7f: {  	[tilespmem:s23], [sflag:$0x1] =	stream.strided.gather [hbm4b:s2+s10], $0x8000, s11, s10, $0x38;
	[tilespmem:$0xAC00] =	vst v63  }
0x80: {  	_ =	swait.ge [sflag:s13], $0x8000  }
0x81: {  	[sflag:s13] =	ssyncset.done $0x0  }
0x82: {  	s24 =	simm.s32 $0x40;
	s25 =	smov.u32 s21;
	[sflag:s13] =	ssyncadd.s32 $0xFFFF8000  }
.LBB2_25:
0x83: {  	s0 =	simm.s32 $0x0  }
.LBB2_32:
0x84: {  	[smem:$0x0] =	sst s0  }
.LBB2_33:
0x85: {  	s0 =	sld [smem:$0x80]  }
.LBB2_34:
0x86: {  	s23 =	sadd.s32 $0x1, s23  }
0x87: {  	p0 =	sne.s32 s23, $0x40  }
.Ltmp5:
0x88: {  	_ = 	snop;
	(pc) =	sbr.rel @!p0 .LBB2_35-.Ltmp5, $2  }
0x89: {  	_ =	sdelay $0x2  }
0x8a: {  	s25 =	sadd.s32 $0x200, s25;
	s24 =	sadd.s32 $0x200, s24  }
.LBB2_3:
0x8b: {  	s2 =	sshll.u32 s23, $0x9  }
0x8c: {  	v21 =	vld [tilespmem:s2+$0x0]  }
0x8d: {  	v22 =	vld [tilespmem:s2+$0x10]  }
0x8e: {  	v23 =	vld [tilespmem:s2+$0x20]  }
0x8f: {  	v24 =	vld [tilespmem:s2+$0x30]  }
0x90: {  	v25 =	vld [tilespmem:s2+$0x40]  }
0x91: {  	v26 =	vld [tilespmem:s2+$0x50]  }
0x92: {  	v27 =	vld [tilespmem:s2+$0x60]  }
0x93: {  	v28 =	vld [tilespmem:s2+$0x70]  }
0x94: {  	v29 =	vld [tilespmem:s2+$0x80]  }
0x95: {  	v30 =	vld [tilespmem:s2+$0x90]  }
0x96: {  	v31 =	vld [tilespmem:s2+$0xA0]  }
0x97: {  	v32 =	vld [tilespmem:s2+$0xB0]  }
0x98: {  	v33 =	vld [tilespmem:s2+$0xC0]  }
0x99: {  	v34 =	vld [tilespmem:s2+$0xD0]  }
0x9a: {  	v35 =	vld [tilespmem:s2+$0xE0]  }
0x9b: {  	v36 =	vld [tilespmem:s2+$0xF0]  }
0x9c: {  	v37 =	vld [tilespmem:s2+$0x100]  }
0x9d: {  	v38 =	vld [tilespmem:s2+$0x110]  }
0x9e: {  	v39 =	vld [tilespmem:s2+$0x120]  }
0x9f: {  	v40 =	vld [tilespmem:s2+$0x130]  }
0xa0: {  	v41 =	vld [tilespmem:s2+$0x140]  }
0xa1: {  	v42 =	vld [tilespmem:s2+$0x150]  }
0xa2: {  	v43 =	vld [tilespmem:s2+$0x160]  }
0xa3: {  	v44 =	vld [tilespmem:s2+$0x170]  }
0xa4: {  	v45 =	vld [tilespmem:s2+$0x180]  }
0xa5: {  	v46 =	vld [tilespmem:s2+$0x190]  }
0xa6: {  	v47 =	vld [tilespmem:s2+$0x1A0]  }
0xa7: {  	v48 =	vld [tilespmem:s2+$0x1B0]  }
0xa8: {  	v49 =	vld [tilespmem:s2+$0x1C0]  }
0xa9: {  	v50 =	vld [tilespmem:s2+$0x1D0]  }
0xaa: {  	v51 =	vld [tilespmem:s2+$0x1E0]  }
0xab: {  	v52 =	vld [tilespmem:s2+$0x1F0];
	v21 =	vmax.f32 v21, v22  }
0xac: {  	v22 =	vmax.f32 v23, v24;
	v23 =	vmax.f32 v25, v26;
	v58 =	vmax.f32 v27, v28  }
0xad: {  	v59 =	vmax.f32 v29, v30;
	v60 =	vmax.f32 v31, v32;
	v61 =	vmax.f32 v33, v34  }
0xae: {  	v62 =	vmax.f32 v35, v36;
	v63 =	vmax.f32 v37, v38;
	v40 =	vmax.f32 v39, v40  }
0xaf: {  	v42 =	vmax.f32 v41, v42;
	v53 =	vmax.f32 v43, v44;
	v54 =	vmax.f32 v45, v46  }
0xb0: {  	v55 =	vmax.f32 v47, v48;
	v56 =	vmax.f32 v49, v50;
	v57 =	vmax.f32 v51, v52  }
0xb1: {  	v21 =	vmax.f32 v21, v22;
	v22 =	vmax.f32 v23, v58;
	v23 =	vmax.f32 v59, v60  }
0xb2: {  	v58 =	vmax.f32 v61, v62;
	v59 =	vmax.f32 v63, v40;
	v60 =	vmax.f32 v42, v53  }
0xb3: {  	v61 =	vmax.f32 v54, v55;
	v62 =	vmax.f32 v56, v57;
	v21 =	vmax.f32 v21, v22  }
0xb4: {  	v22 =	vmax.f32 v23, v58;
	v23 =	vmax.f32 v59, v60;
	v63 =	vmax.f32 v61, v62  }
0xb5: {  	v21 =	vmax.f32 v21, v22;
	v22 =	vmax.f32 v23, v63  }
0xb6: {  	v21 =	vmax.f32 v21, v22  }
0xb7: {  	vm1 =	vgt.f32 v21, s0  }
0xb8: {  	v21 =	vsel vm1, $0x3F800000, v6  }
0xb9: {  	(xrf0) =	vmax.scan.msk.f32 $0xffff, v21;
	_ =	sdelay $0x5  }
0xba: {  	v21, _, _ =	vpop (xrf0)  }
0xbb: {  	(v2sf) =	vpush v21, $0xF;
	_ =	sdelay $0xe  }
0xbc: {  	s31 =	spop (v2sf)  }
0xbd: {  	p0 =	sgt.f32 s31, $0.0e+00  }
.Ltmp6:
0xbe: {  	_ = 	snop;
	(pc) =	sbr.rel @!p0 .LBB2_34-.Ltmp6, $1  }
0xbf: {  	_ =	sdelay $0x3  }
.Ltmp7:
0xc0: {  	(pc) =	sbr.rel .LBB2_5-.Ltmp7, $2  }
0xc1: {  	_ =	sdelay $0x2  }
0xc2: {  	v21 =	vmov s0;
	s0 =	smov.u32 s24;
	s26 =	simm.s32 $0x0  }
.LBB2_7:
0xc3: {  	s26 =	sadd.s32 $0x80, s26  }
0xc4: {  	p0 =	sne.s32 s26, $0x200  }
.Ltmp8:
0xc5: {  	_ = 	snop;
	(pc) =	sbr.rel @!p0 .LBB2_8-.Ltmp8, $2  }
0xc6: {  	_ =	sdelay $0x2  }
0xc7: {  	s0 =	sadd.s32 $0x80, s0  }
.LBB2_5:
0xc8: {  	v29 =	vld [tilespmem:s0+$0xFFFFFFC0]  }
0xc9: {  	v28 =	vld [tilespmem:s0+$0xFFFFFFD0]  }
0xca: {  	v27 =	vld [tilespmem:s0+$0xFFFFFFE0]  }
0xcb: {  	v26 =	vld [tilespmem:s0+$0xFFFFFFF0]  }
0xcc: {  	v25 =	vld [tilespmem:s0+$0x0]  }
0xcd: {  	v24 =	vld [tilespmem:s0+$0x10]  }
0xce: {  	v23 =	vld [tilespmem:s0+$0x20]  }
0xcf: {  	v22 =	vld [tilespmem:s0+$0x30];
	_ =	sdelay $0x3  }
0xd0: {  	v30 =	vmax.f32 v29, v28  }
0xd1: {  	v31 =	vmax.f32 v27, v26;
	v32 =	vmax.f32 v25, v24;
	v33 =	vmax.f32 v23, v22  }
0xd2: {  	v30 =	vmax.f32 v30, v31;
	v31 =	vmax.f32 v32, v33  }
0xd3: {  	v30 =	vmax.f32 v30, v31  }
0xd4: {  	vm1 =	vgt.f32 v30, v21  }
0xd5: {  	v30 =	vsel vm1, $0x3F800000, v6  }
0xd6: {  	(xrf0) =	vmax.scan.msk.f32 $0xffff, v30;
	_ =	sdelay $0x5  }
0xd7: {  	v30, _, _ =	vpop (xrf0)  }
0xd8: {  	(v2sf) =	vpush v30, $0xF;
	_ =	sdelay $0xe  }
0xd9: {  	s2 =	spop (v2sf)  }
0xda: {  	p0 =	sgt.f32 s2, $0.0e+00  }
.Ltmp9:
0xdb: {  	_ = 	snop;
	(pc) =	sbr.rel @!p0 .LBB2_7-.Ltmp9, $1  }
0xdc: {  	_ =	sdelay $0x3  }
0xdd: {  	vm8 =	vgt.f32 v29, v21  }
0xde: {  	v30 =	vmpcnt.ones.xlane vm8  }
0xdf: {  	vm7 =	vgt.f32 v28, v21  }
0xe0: {  	v31 =	vmpcnt.ones.xlane vm7;
	v30 =	vxor.u32 $0x80000000, v30  }
0xe1: {  	vm6 =	vgt.f32 v27, v21;
	(xrf0) =	vmax.scan.msk.u32 $0xffff, v30  }
0xe2: {  	v39 =	vmpcnt.ones.xlane vm6;
	v38 =	vxor.u32 $0x80000000, v31  }
0xe3: {  	vm5 =	vgt.f32 v26, v21;
	(xrf0) =	vmax.scan.msk.u32 $0xffff, v38  }
0xe4: {  	v41 =	vmpcnt.ones.xlane vm5;
	v40 =	vxor.u32 $0x80000000, v39  }
0xe5: {  	vm4 =	vgt.f32 v25, v21;
	(xrf0) =	vmax.scan.msk.u32 $0xffff, v40  }
0xe6: {  	v43 =	vmpcnt.ones.xlane vm4;
	v42 =	vxor.u32 $0x80000000, v41  }
0xe7: {  	vm3 =	vgt.f32 v24, v21;
	v32, _, _ =	vpop (xrf0);
	(xrf0) =	vmax.scan.msk.u32 $0xffff, v42  }
0xe8: {  	v45 =	vmpcnt.ones.xlane vm3;
	v44 =	vxor.u32 $0x80000000, v43;
	(v2sf) =	vpush v32, $0xF  }
0xe9: {  	vm1 =	vgt.f32 v23, v21;
	v46, _, _ =	vpop (xrf0);
	(xrf0) =	vmax.scan.msk.u32 $0xffff, v44  }
0xea: {  	v48 =	vmpcnt.ones.xlane vm1;
	v47 =	vxor.u32 $0x80000000, v45;
	(v2sf) =	vpush v46, $0xF  }
0xeb: {  	vm2 =	vgt.f32 v22, v21;
	v49, _, _ =	vpop (xrf0);
	(xrf0) =	vmax.scan.msk.u32 $0xffff, v47  }
0xec: {  	v51 =	vmpcnt.ones.xlane vm2;
	v50 =	vxor.u32 $0x80000000, v48;
	(v2sf) =	vpush v49, $0xF  }
0xed: {  	v52, _, _ =	vpop (xrf0);
	(xrf0) =	vmax.scan.msk.u32 $0xffff, v50  }
0xee: {  	v53 =	vxor.u32 $0x80000000, v51;
	(v2sf) =	vpush v52, $0xF  }
0xef: {  	v54, _, _ =	vpop (xrf0);
	(xrf0) =	vmax.scan.msk.u32 $0xffff, v53  }
0xf0: {  	(v2sf) =	vpush v54, $0xF  }
0xf1: {  	v55, _, _ =	vpop (xrf0)  }
0xf2: {  	(v2sf) =	vpush v55, $0xF  }
0xf3: {  	v56, _, _ =	vpop (xrf0)  }
0xf4: {  	(v2sf) =	vpush v56, $0xF  }
0xf5: {  	s2 =	sld [smem:$0x0];
	v57, _, _ =	vpop (xrf0)  }
0xf6: {  	(v2sf) =	vpush v57, $0xF  }
0xf7: {  	s3 =	spop (v2sf)  }
0xf8: {  	s4 =	sadd.s32 s26, s25;
	s3 =	sadd.s32 s3, s2  }
0xf9: {  	v58 =	vor.u32 s4, v1;
	[tilespmem:s2+$0x8000] =	vst.msk vm8, v29;
	s16 =	spop (v2sf);
	s3 =	sadd.s32 $0x80000000, s3  }
0xfa: {  	s5 =	sadd.s32 $0x10, s4;
	[tilespmem:s2+$0x8A80] =	vst.msk vm8, v58;
	s16 =	sadd.s32 s16, s3  }
0xfb: {  	v59 =	vor.u32 s5, v1;
	s28 =	spop (v2sf);
	[tilespmem:s3+$0x8000] =	vst.msk vm7, v28;
	s16 =	sadd.s32 $0x80000000, s16  }
0xfc: {  	s29 =	sadd.s32 $0x20, s4;
	[tilespmem:s3+$0x8A80] =	vst.msk vm7, v59;
	s2 =	sadd.s32 s28, s16  }
0xfd: {  	v60 =	vor.u32 s29, v1;
	[tilespmem:s16+$0x8000] =	vst.msk vm6, v27;
	s30 =	spop (v2sf);
	s2 =	sadd.s32 $0x80000000, s2  }
0xfe: {  	s31 =	sadd.s32 $0x30, s4;
	[tilespmem:s16+$0x8A80] =	vst.msk vm6, v60;
	s3 =	sadd.s32 s30, s2  }
0xff: {  	v61 =	vor.u32 s31, v1;
	s5 =	spop (v2sf);
	[tilespmem:s2+$0x8000] =	vst.msk vm5, v26;
	s3 =	sadd.s32 $0x80000000, s3  }
0x100: {  	s28 =	sadd.s32 $0x40, s4;
	[tilespmem:s2+$0x8A80] =	vst.msk vm5, v61;
	s16 =	sadd.s32 s5, s3  }
0x101: {  	v62 =	vor.u32 s28, v1;
	s29 =	spop (v2sf);
	[tilespmem:s3+$0x8000] =	vst.msk vm4, v25;
	s16 =	sadd.s32 $0x80000000, s16  }
0x102: {  	s30 =	sadd.s32 $0x50, s4;
	[tilespmem:s3+$0x8A80] =	vst.msk vm4, v62;
	s2 =	sadd.s32 s29, s16  }
0x103: {  	v63 =	vor.u32 s30, v1;
	[tilespmem:s16+$0x8000] =	vst.msk vm3, v24;
	s31 =	spop (v2sf);
	s2 =	sadd.s32 $0x80000000, s2  }
.Ltmp10:
0x104: {  	s5 =	sadd.s32 $0x60, s4;
	[tilespmem:s16+$0x8A80] =	vst.msk vm3, v63;
	s3 =	sadd.s32 s31, s2;
	(pc) =	sbr.rel .LBB2_7-.Ltmp10, $4  }
0x105: {  	[tilespmem:s2+$0x8000] =	vst.msk vm1, v23;
	v23 =	vor.u32 s5, v1;
	s28 =	spop (v2sf);
	s3 =	sadd.s32 $0x80000000, s3  }
0x106: {  	s29 =	sadd.s32 $0x70, s4;
	[tilespmem:s2+$0x8A80] =	vst.msk vm1, v23;
	s30 =	sadd.s32 s28, s3  }
0x107: {  	[tilespmem:s3+$0x8000] =	vst.msk vm2, v22;
	v22 =	vor.u32 s29, v1;
	s31 =	sadd.s32 $0x80000000, s30  }
0x108: {  	[tilespmem:s3+$0x8A80] =	vst.msk vm2, v22;
	[smem:$0x0] =	sst s31  }
.LBB2_8:
0x109: {  	s0 =	sld [smem:$0x0];
	_ =	sdelay $0x2  }
0x10a: {  	p0 =	slt.s32 s0, $0x801  }
.Ltmp11:
0x10b: {  	_ = 	snop;
	(pc) =	sbr.rel @p0 .LBB2_33-.Ltmp11, $1  }
0x10c: {  	_ =	sdelay $0x3  }
.Ltmp12:
0x10d: {  	(pc) =	sbr.rel .LBB2_10-.Ltmp12, $4  }
0x10e: {  	_ = 	snop  }
0x10f: {  	s2 =	sadd.s32 $0xF, s0  }
0x110: {  	s28 =	simm.s32 $0x0;
	s31 =	simm.s32 $0x7F800000;
	s26 =	sshra.s32 s2, $0x4  }
0x111: {  	v21 =	vmov s0;
	s29 =	simm.s32 $0x0;
	s30 =	simm.s32 $0x0;
	p0 =	slt.s32 s26, $0x1  }
.LBB2_12:
0x112: {  	s4 =	simm.s32 $0x0  }
.LBB2_22:
0x113: {  	vm1 =	vmand vm1, vm2  }
0x114: {  	v22 =	vmpcnt.ones.xlane vm1;
	_ =	sdelay $0x1  }
0x115: {  	v22 =	vxor.u32 $0x80000000, v22  }
0x116: {  	(xrf0) =	vmax.scan.msk.u32 $0xffff, v22;
	_ =	sdelay $0x2  }
0x117: {  	v22, _, _ =	vpop @p1 (xrf0)  }
0x118: {  	(v2sf) =	vpush @p1 v22, $0xF;
	_ =	sdelay $0x1  }
0x119: {  	v22, _, _ =	vpop (xrf0)  }
0x11a: {  	(v2sf) =	vpush v22, $0xF;
	_ =	sdelay $0x2  }
0x11b: {  	s2 =	spop @p4 (v2sf)  }
0x11c: {  	s2 =	sadd.s32 @p4 s2, s4  }
0x11d: {  	s3 =	simm.s32 $0x0;
	s2 =	sadd.s32 @p4 $0x80000000, s2  }
0x11e: {  	s3 =	smov.u32 @p4 s2;
	s2 =	spop @p3 (v2sf)  }
0x11f: {  	s2 =	sadd.s32 @p3 s2, s3  }
0x120: {  	s3 =	simm.s32 $0x0;
	s2 =	sadd.s32 @p3 $0x80000000, s2  }
0x121: {  	s3 =	smov.u32 @p3 s2;
	s2 =	spop @p2 (v2sf)  }
0x122: {  	s2 =	sadd.s32 @p2 s2, s3  }
0x123: {  	s3 =	simm.s32 $0x0;
	s2 =	sadd.s32 @p2 $0x80000000, s2  }
0x124: {  	s3 =	smov.u32 @p2 s2;
	s2 =	spop @p1 (v2sf)  }
0x125: {  	s2 =	sadd.s32 @p1 s2, s3  }
0x126: {  	s3 =	simm.s32 $0x0;
	s2 =	sadd.s32 @p1 $0x80000000, s2  }
0x127: {  	s3 =	smov.u32 @p1 s2;
	s16 =	spop (v2sf)  }
0x128: {  	s2 =	sadd.s32 s16, s3  }
0x129: {  	s2 =	sadd.s32 $0x80000000, s2  }
0x12a: {  	p1 =	sgt.s32 s2, $0x31  }
0x12b: {  	s29 =	smov.u32 @p1 s0;
	s0 =	smov.u32 @p1 s31  }
.LBB2_23:
0x12c: {  	s30 =	sadd.s32 $0x1, s30  }
0x12d: {  	p1 =	sne.s32 s30, $0x1F  }
.Ltmp13:
0x12e: {  	_ = 	snop;
	(pc) =	sbr.rel @!p1 .LBB2_24-.Ltmp13, $2  }
0x12f: {  	_ =	sdelay $0x2  }
0x130: {  	s31 =	smov.u32 s0  }
.LBB2_10:
.Ltmp14:
0x131: {  	(pc) =	sbr.rel @p0 .LBB2_23-.Ltmp14, $4  }
0x132: {  	_ = 	snop  }
0x133: {  	s0 =	ssub.s32 s31, s29  }
0x134: {  	s0 =	sshra.s32 s0, $0x1  }
0x135: {  	s0 =	sadd.s32 s29, s0  }
0x136: {  	s2 =	simm.s32 $0x8000  }
0x137: {  	p5 =	sne.s32 s26, $0x1;
	v23 =	vld [tilespmem:s2+$0x0]  }
.Ltmp15:
0x138: {  	_ = 	snop;
	(pc) =	sbr.rel @!p5 .LBB2_12-.Ltmp15, $4  }
0x139: {  	v22 =	vmov s0  }
0x13a: {  	v22 =	vbroadcast v22, $0x0  }
0x13b: {  	v24 =	vor.u32 s28, v1;
	s3 =	simm.s32 $0x8010;
	p1 =	por $0x0, $0x0;
	p2 =	por $0x0, $0x0  }
0x13c: {  	p3 =	por $0x0, $0x0;
	p4 =	por $0x0, $0x0;
	s2 =	sadd.s32 $0xFFFFFFFF, s26;
	vm1 =	vlt.s32 v24, v21;
	vm2 =	vge.f32 v23, v22  }
0x13d: {  	v23 =	vld [tilespmem:s3+$0x0];
	p5 =	sne.s32 s2, $0x1  }
.Ltmp16:
0x13e: {  	vm1 =	vmand vm1, vm2;
	(pc) =	sbr.rel @!p5 .LBB2_14-.Ltmp16, $4  }
0x13f: {  	v24 =	vmpcnt.ones.xlane vm1  }
0x140: {  	s16 =	simm.s32 $0x10  }
0x141: {  	v25 =	vor.u32 s16, v1;
	v24 =	vxor.u32 $0x80000000, v24  }
0x142: {  	s2 =	sadd.s32 $0xFFFFFFFF, s2;
	s3 =	simm.s32 $0x8020;
	p1 =	por $0x1, $0x1;
	vm1 =	vlt.s32 v25, v21;
	(xrf0) =	vmax.scan.msk.u32 $0xffff, v24;
	vm2 =	vge.f32 v23, v22  }
0x143: {  	_ =	sdelay $0x4  }
0x144: {  	v26, _, _ =	vpop (xrf0)  }
0x145: {  	(v2sf) =	vpush v26, $0xF;
	_ =	sdelay $0x6  }
0x146: {  	v23 =	vld [tilespmem:s3+$0x0];
	p5 =	sne.s32 s2, $0x1  }
.Ltmp17:
0x147: {  	vm1 =	vmand vm1, vm2;
	(pc) =	sbr.rel @!p5 .LBB2_16-.Ltmp17, $4  }
0x148: {  	v24 =	vmpcnt.ones.xlane vm1  }
0x149: {  	s16 =	simm.s32 $0x20  }
0x14a: {  	v25 =	vor.u32 s16, v1;
	v24 =	vxor.u32 $0x80000000, v24  }
0x14b: {  	s2 =	sadd.s32 $0xFFFFFFFF, s2;
	s3 =	simm.s32 $0x8030;
	p2 =	por $0x1, $0x1;
	vm1 =	vlt.s32 v25, v21;
	(xrf0) =	vmax.scan.msk.u32 $0xffff, v24;
	vm2 =	vge.f32 v23, v22  }
0x14c: {  	_ =	sdelay $0x4  }
0x14d: {  	v23 =	vld [tilespmem:s3+$0x0];
	p5 =	sne.s32 s2, $0x1;
	v26, _, _ =	vpop (xrf0)  }
.Ltmp18:
0x14e: {  	vm1 =	vmand vm1, vm2;
	(v2sf) =	vpush v26, $0xF;
	(pc) =	sbr.rel @!p5 .LBB2_18-.Ltmp18, $4  }
0x14f: {  	v24 =	vmpcnt.ones.xlane vm1  }
0x150: {  	s16 =	simm.s32 $0x30  }
0x151: {  	v25 =	vor.u32 s16, v1;
	v24 =	vxor.u32 $0x80000000, v24  }
0x152: {  	s3 =	sadd.s32 $0xFFFFFFFF, s2;
	s2 =	simm.s32 $0x8040;
	p3 =	por $0x1, $0x1;
	vm1 =	vlt.s32 v25, v21;
	(xrf0) =	vmax.scan.msk.u32 $0xffff, v24;
	vm2 =	vge.f32 v23, v22  }
0x153: {  	_ =	sdelay $0x4  }
0x154: {  	v23 =	vld [tilespmem:s2+$0x0];
	vm1 =	vmand vm1, vm2;
	p5 =	sne.s32 s3, $0x1;
	v26, _, _ =	vpop (xrf0)  }
.Ltmp19:
0x155: {  	v24 =	vmpcnt.ones.xlane vm1;
	(v2sf) =	vpush v26, $0xF;
	(pc) =	sbr.rel @!p5 .LBB2_20-.Ltmp19, $4  }
0x156: {  	_ = 	snop  }
0x157: {  	s2 =	simm.s32 $0x40;
	v24 =	vxor.u32 $0x80000000, v24  }
0x158: {  	s16 =	sadd.s32 $0xFFFFFFFF, s3;
	v25 =	vor.u32 s2, v1;
	(xrf0) =	vmax.scan.msk.u32 $0xffff, v24  }
0x159: {  	s3 =	simm.s32 $0x8050;
	p4 =	por $0x1, $0x1;
	s4 =	simm.s32 $0x0;
	vm1 =	vlt.s32 v25, v21;
	vm2 =	vge.f32 v23, v22  }
.LBB2_21:
0x15a: {  	v23 =	vld [tilespmem:s3+$0x0];
	p5 =	sne.s32 s16, $0x1;
	s16 =	sadd.s32 $0xFFFFFFFF, s16;
	vm1 =	vmand vm1, vm2  }
.Ltmp20:
0x15b: {  	v27 =	vmpcnt.ones.xlane vm1;
	(pc) =	sbr.rel @p5 .LBB2_21-.Ltmp20, $4  }
0x15c: {  	s5 =	spop (v2sf)  }
0x15d: {  	s2 =	sadd.s32 $0x10, s2;
	v26 =	vxor.u32 $0x80000000, v27;
	s4 =	sadd.s32 s5, s4  }
0x15e: {  	v25 =	vor.u32 s2, v1;
	(xrf0) =	vmax.scan.msk.u32 $0xffff, v26;
	v24, _, _ =	vpop (xrf0);
	s4 =	sadd.s32 $0x80000000, s4  }
0x15f: {  	s3 =	sadd.s32 $0x10, s3;
	vm1 =	vlt.s32 v25, v21;
	vm2 =	vge.f32 v23, v22;
	(v2sf) =	vpush v24, $0xF  }
.Ltmp21:
0x160: {  	_ = 	snop;
	(pc) =	sbr.rel .LBB2_22-.Ltmp21, $1  }
0x161: {  	_ =	sdelay $0x3  }
.LBB2_14:
.Ltmp22:
0x162: {  	(pc) =	sbr.rel .LBB2_22-.Ltmp22, $2  }
0x163: {  	_ =	sdelay $0x2  }
0x164: {  	s4 =	simm.s32 $0x0  }
.LBB2_16:
.Ltmp23:
0x165: {  	(pc) =	sbr.rel .LBB2_22-.Ltmp23, $2  }
0x166: {  	_ =	sdelay $0x2  }
0x167: {  	s4 =	simm.s32 $0x0  }
.LBB2_18:
.Ltmp24:
0x168: {  	(pc) =	sbr.rel .LBB2_22-.Ltmp24, $2  }
0x169: {  	_ =	sdelay $0x3  }
0x16a: {  	s4 =	simm.s32 $0x0  }
.LBB2_20:
.Ltmp25:
0x16b: {  	(pc) =	sbr.rel .LBB2_22-.Ltmp25, $2  }
0x16c: {  	_ =	sdelay $0x2  }
0x16d: {  	s4 =	simm.s32 $0x0  }
.LBB2_24:
0x16e: {  	v22 =	vmov s29  }
0x16f: {  	v22 =	vbroadcast v22, $0x0;
	_ =	sdelay $0x1  }
0x170: {  	(xrf0) =	vmax.scan.msk.f32 $0xffff, v22;
	_ =	sdelay $0x5  }
0x171: {  	v22, _, _ =	vpop (xrf0)  }
0x172: {  	(v2sf) =	vpush v22, $0xF;
	_ =	sdelay $0xb  }
.Ltmp26:
0x173: {  	_ = 	snop;
	(pc) =	sbr.rel @p0 .LBB2_25-.Ltmp26, $3  }
0x174: {  	_ =	sdelay $0x1  }
0x175: {  	s0 =	spop (v2sf)  }
0x176: {  	[smem:$0x80] =	sst s0  }
0x177: {  	p1 =	sne.s32 s26, $0x1  }
.Ltmp27:
0x178: {  	_ = 	snop;
	(pc) =	sbr.rel @!p1 .LBB2_27-.Ltmp27, $3  }
0x179: {  	_ =	sdelay $0x1  }
0x17a: {  	s2 =	simm.s32 $0x8000;
	s28 =	simm.s32 $0x8A80  }
0x17b: {  	v22 =	vbroadcast v22, $0xF;
	s0 =	simm.s32 $0x0;
	p0 =	por $0x0, $0x0;
	v23 =	vld [tilespmem:s2+$0x0];
	s2 =	sadd.s32 $0xFFFFFFFF, s26  }
0x17c: {  	_ =	sdelay $0x2  }
0x17d: {  	v24 =	vor.u32 s0, v1  }
0x17e: {  	vm1 =	vlt.s32 v24, v21;
	vm2 =	vge.f32 v23, v22  }
0x17f: {  	vm1 =	vmand vm1, vm2  }
0x180: {  	v62 =	vmpcnt.ones.xlane vm1;
	_ =	sdelay $0x1  }
0x181: {  	v24 =	vxor.u32 $0x80000000, v62  }
0x182: {  	(xrf0) =	vmax.scan.msk.u32 $0xffff, v24;
	_ =	sdelay $0x2  }
0x183: {  	v63 =	vld [tilespmem:s28+$0x0]  }
0x184: {  	p1 =	sne.s32 s2, $0x1  }
.Ltmp28:
0x185: {  	_ = 	snop;
	(pc) =	sbr.rel @!p1 .LBB2_29-.Ltmp28, $4  }
0x186: {  	[tilespmem:s0+$0x8000] =	vst.msk vm1, v23;
	v23, _, _ =	vpop (xrf0)  }
0x187: {  	(v2sf) =	vpush v23, $0xF  }
0x188: {  	s31 =	simm.s32 $0x8010;
	s4 =	sadd.s32 $0xFFFFFFFF, s2;
	p0 =	por $0x1, $0x1;
	[tilespmem:s0+$0x8A80] =	vst.msk vm1, v63  }
0x189: {  	s30 =	simm.s32 $0x0;
	s26 =	simm.s32 $0x8A80;
	s29 =	simm.s32 $0x0;
	v23 =	vld [tilespmem:s31+$0x0]  }
.LBB2_30:
0x18a: {  	p1 =	sne.s32 s4, $0x1;
	_ =	sdelay $0x1  }
0x18b: {  	s30 =	sadd.s32 $0x10, s30  }
0x18c: {  	v24 =	vor.u32 s30, v1  }
0x18d: {  	vm1 =	vlt.s32 v24, v21;
	vm2 =	vge.f32 v23, v22  }
0x18e: {  	vm1 =	vmand vm1, vm2  }
0x18f: {  	v24 =	vmpcnt.ones.xlane vm1;
	_ =	sdelay $0x1  }
0x190: {  	v24 =	vxor.u32 $0x80000000, v24  }
0x191: {  	(xrf0) =	vmax.scan.msk.u32 $0xffff, v24  }
0x192: {  	s26 =	sadd.s32 $0x10, s26  }
0x193: {  	v24 =	vld [tilespmem:s26+$0x0]  }
0x194: {  	s2 =	spop (v2sf)  }
0x195: {  	s2 =	sadd.s32 s2, s29  }
.Ltmp29:
0x196: {  	s29 =	sadd.s32 $0x80000000, s2;
	(pc) =	sbr.rel @p1 .LBB2_30-.Ltmp29, $4  }
0x197: {  	[tilespmem:s29+$0x8000] =	vst.msk vm1, v23;
	v23, _, _ =	vpop (xrf0)  }
0x198: {  	[tilespmem:s29+$0x8A80] =	vst.msk vm1, v24;
	(v2sf) =	vpush v23, $0xF  }
0x199: {  	s31 =	sadd.s32 $0x10, s31  }
0x19a: {  	s4 =	sadd.s32 $0xFFFFFFFF, s4;
	v23 =	vld [tilespmem:s31+$0x0]  }
.LBB2_31:
0x19b: {  	_ = 	snop  }
0x19c: {  	s2 =	sadd.s32 @p0 $0x10, s30;
	s3 =	simm.s32 $0x0  }
0x19d: {  	s3 =	smov.u32 @p0 s2  }
0x19e: {  	v24 =	vor.u32 s3, v1  }
0x19f: {  	vm1 =	vlt.s32 v24, v21;
	vm2 =	vge.f32 v23, v22  }
0x1a0: {  	vm1 =	vmand vm1, vm2  }
0x1a1: {  	v21 =	vmpcnt.ones.xlane vm1;
	_ =	sdelay $0x1  }
0x1a2: {  	v21 =	vxor.u32 $0x80000000, v21  }
0x1a3: {  	(xrf0) =	vmax.scan.msk.u32 $0xffff, v21;
	_ =	sdelay $0x5  }
0x1a4: {  	v21, _, _ =	vpop (xrf0)  }
0x1a5: {  	(v2sf) =	vpush v21, $0xF;
	_ =	sdelay $0x9  }
0x1a6: {  	s2 =	sadd.s32 @p0 $0x10, s26  }
0x1a7: {  	s28 =	smov.u32 @p0 s2  }
0x1a8: {  	s2 =	spop @p0 (v2sf);
	v21 =	vld [tilespmem:s28+$0x0]  }
.Ltmp30:
0x1a9: {  	s2 =	sadd.s32 @p0 s2, s29;
	(pc) =	sbr.rel .LBB2_32-.Ltmp30, $4  }
0x1aa: {  	s2 =	sadd.s32 @p0 $0x80000000, s2  }
0x1ab: {  	s0 =	smov.u32 @p0 s2;
	s31 =	spop (v2sf)  }
0x1ac: {  	[tilespmem:s0+$0x8000] =	vst.msk vm1, v23;
	s2 =	sadd.s32 s31, s0  }
0x1ad: {  	[tilespmem:s0+$0x8A80] =	vst.msk vm1, v21;
	s0 =	sadd.s32 $0x80000000, s2  }
.LBB2_27:
.Ltmp31:
0x1ae: {  	(pc) =	sbr.rel .LBB2_31-.Ltmp31, $2  }
0x1af: {  	_ =	sdelay $0x2  }
0x1b0: {  	s30 =	simm.s32 $0x0;
	s26 =	simm.s32 $0x8A80;
	s29 =	simm.s32 $0x0  }
.LBB2_29:
.Ltmp32:
0x1b1: {  	(pc) =	sbr.rel .LBB2_31-.Ltmp32, $2  }
0x1b2: {  	_ =	sdelay $0x2  }
0x1b3: {  	s30 =	simm.s32 $0x0;
	s26 =	simm.s32 $0x8A80;
	s29 =	simm.s32 $0x0  }
.LBB2_36:
0x1b4: {  	s0 =	sld [smem:$0x0]  }
.Ltmp33:
0x1b5: {  	_ = 	snop;
	(pc) =	sbr.rel .LBB2_37-.Ltmp33, $4  }
0x1b6: {  	_ = 	snop  }
0x1b7: {  	s2 =	sadd.s32 $0xF, s0  }
0x1b8: {  	s21 =	simm.s32 $0x0;
	s25 =	simm.s32 $0x7F800000;
	s22 =	sshra.s32 s2, $0x4  }
0x1b9: {  	s23 =	simm.s32 $0x0;
	s24 =	simm.s32 $0x0;
	v21 =	vmov s0;
	p0 =	slt.s32 s22, $0x1  }
.LBB2_39:
0x1ba: {  	s4 =	simm.s32 $0x0  }
.LBB2_49:
0x1bb: {  	vm1 =	vmand vm1, vm2  }
0x1bc: {  	v22 =	vmpcnt.ones.xlane vm1;
	_ =	sdelay $0x1  }
0x1bd: {  	v22 =	vxor.u32 $0x80000000, v22  }
0x1be: {  	(xrf0) =	vmax.scan.msk.u32 $0xffff, v22;
	_ =	sdelay $0x2  }
0x1bf: {  	v22, _, _ =	vpop @p1 (xrf0)  }
0x1c0: {  	(v2sf) =	vpush @p1 v22, $0xF;
	_ =	sdelay $0x1  }
0x1c1: {  	v22, _, _ =	vpop (xrf0)  }
0x1c2: {  	(v2sf) =	vpush v22, $0xF;
	_ =	sdelay $0x2  }
0x1c3: {  	s2 =	spop @p4 (v2sf)  }
0x1c4: {  	s2 =	sadd.s32 @p4 s2, s4  }
0x1c5: {  	s3 =	simm.s32 $0x0;
	s2 =	sadd.s32 @p4 $0x80000000, s2  }
0x1c6: {  	s3 =	smov.u32 @p4 s2;
	s2 =	spop @p3 (v2sf)  }
0x1c7: {  	s2 =	sadd.s32 @p3 s2, s3  }
0x1c8: {  	s3 =	simm.s32 $0x0;
	s2 =	sadd.s32 @p3 $0x80000000, s2  }
0x1c9: {  	s3 =	smov.u32 @p3 s2;
	s2 =	spop @p2 (v2sf)  }
0x1ca: {  	s2 =	sadd.s32 @p2 s2, s3  }
0x1cb: {  	s3 =	simm.s32 $0x0;
	s2 =	sadd.s32 @p2 $0x80000000, s2  }
0x1cc: {  	s3 =	smov.u32 @p2 s2;
	s2 =	spop @p1 (v2sf)  }
0x1cd: {  	s2 =	sadd.s32 @p1 s2, s3  }
0x1ce: {  	s3 =	simm.s32 $0x0;
	s2 =	sadd.s32 @p1 $0x80000000, s2  }
0x1cf: {  	s3 =	smov.u32 @p1 s2;
	s31 =	spop (v2sf)  }
0x1d0: {  	s2 =	sadd.s32 s31, s3  }
0x1d1: {  	s2 =	sadd.s32 $0x80000000, s2  }
0x1d2: {  	p1 =	sgt.s32 s2, $0x31  }
0x1d3: {  	s23 =	smov.u32 @p1 s0;
	s0 =	smov.u32 @p1 s25  }
.LBB2_50:
0x1d4: {  	s24 =	sadd.s32 $0x1, s24  }
0x1d5: {  	p1 =	sne.s32 s24, $0x1F  }
.Ltmp34:
0x1d6: {  	_ = 	snop;
	(pc) =	sbr.rel @!p1 .LBB2_51-.Ltmp34, $2  }
0x1d7: {  	_ =	sdelay $0x2  }
0x1d8: {  	s25 =	smov.u32 s0  }
.LBB2_37:
.Ltmp35:
0x1d9: {  	(pc) =	sbr.rel @p0 .LBB2_50-.Ltmp35, $4  }
0x1da: {  	_ = 	snop  }
0x1db: {  	s0 =	ssub.s32 s25, s23  }
0x1dc: {  	s0 =	sshra.s32 s0, $0x1  }
0x1dd: {  	s0 =	sadd.s32 s23, s0  }
0x1de: {  	s2 =	simm.s32 $0x8000  }
0x1df: {  	p5 =	sne.s32 s22, $0x1;
	v23 =	vld [tilespmem:s2+$0x0]  }
.Ltmp36:
0x1e0: {  	_ = 	snop;
	(pc) =	sbr.rel @!p5 .LBB2_39-.Ltmp36, $4  }
0x1e1: {  	v22 =	vmov s0  }
0x1e2: {  	v22 =	vbroadcast v22, $0x0  }
0x1e3: {  	v24 =	vor.u32 s21, v1;
	s3 =	simm.s32 $0x8010;
	p1 =	por $0x0, $0x0;
	p2 =	por $0x0, $0x0  }
0x1e4: {  	p3 =	por $0x0, $0x0;
	p4 =	por $0x0, $0x0;
	s2 =	sadd.s32 $0xFFFFFFFF, s22;
	vm1 =	vlt.s32 v24, v21;
	vm2 =	vge.f32 v23, v22  }
0x1e5: {  	v23 =	vld [tilespmem:s3+$0x0];
	p5 =	sne.s32 s2, $0x1  }
.Ltmp37:
0x1e6: {  	vm1 =	vmand vm1, vm2;
	(pc) =	sbr.rel @!p5 .LBB2_41-.Ltmp37, $4  }
0x1e7: {  	v24 =	vmpcnt.ones.xlane vm1  }
0x1e8: {  	s31 =	simm.s32 $0x10  }
0x1e9: {  	v25 =	vor.u32 s31, v1;
	v24 =	vxor.u32 $0x80000000, v24  }
0x1ea: {  	s2 =	sadd.s32 $0xFFFFFFFF, s2;
	s3 =	simm.s32 $0x8020;
	p1 =	por $0x1, $0x1;
	vm1 =	vlt.s32 v25, v21;
	(xrf0) =	vmax.scan.msk.u32 $0xffff, v24;
	vm2 =	vge.f32 v23, v22  }
0x1eb: {  	_ =	sdelay $0x4  }
0x1ec: {  	v26, _, _ =	vpop (xrf0)  }
0x1ed: {  	(v2sf) =	vpush v26, $0xF;
	_ =	sdelay $0x6  }
0x1ee: {  	v23 =	vld [tilespmem:s3+$0x0];
	p5 =	sne.s32 s2, $0x1  }
.Ltmp38:
0x1ef: {  	vm1 =	vmand vm1, vm2;
	(pc) =	sbr.rel @!p5 .LBB2_43-.Ltmp38, $4  }
0x1f0: {  	v24 =	vmpcnt.ones.xlane vm1  }
0x1f1: {  	s31 =	simm.s32 $0x20  }
0x1f2: {  	v25 =	vor.u32 s31, v1;
	v24 =	vxor.u32 $0x80000000, v24  }
0x1f3: {  	s2 =	sadd.s32 $0xFFFFFFFF, s2;
	s3 =	simm.s32 $0x8030;
	p2 =	por $0x1, $0x1;
	vm1 =	vlt.s32 v25, v21;
	(xrf0) =	vmax.scan.msk.u32 $0xffff, v24;
	vm2 =	vge.f32 v23, v22  }
0x1f4: {  	_ =	sdelay $0x4  }
0x1f5: {  	v23 =	vld [tilespmem:s3+$0x0];
	p5 =	sne.s32 s2, $0x1;
	v26, _, _ =	vpop (xrf0)  }
.Ltmp39:
0x1f6: {  	vm1 =	vmand vm1, vm2;
	(v2sf) =	vpush v26, $0xF;
	(pc) =	sbr.rel @!p5 .LBB2_45-.Ltmp39, $4  }
0x1f7: {  	v24 =	vmpcnt.ones.xlane vm1  }
0x1f8: {  	s31 =	simm.s32 $0x30  }
0x1f9: {  	v25 =	vor.u32 s31, v1;
	v24 =	vxor.u32 $0x80000000, v24  }
0x1fa: {  	s3 =	sadd.s32 $0xFFFFFFFF, s2;
	s2 =	simm.s32 $0x8040;
	p3 =	por $0x1, $0x1;
	vm1 =	vlt.s32 v25, v21;
	(xrf0) =	vmax.scan.msk.u32 $0xffff, v24;
	vm2 =	vge.f32 v23, v22  }
0x1fb: {  	_ =	sdelay $0x4  }
0x1fc: {  	v23 =	vld [tilespmem:s2+$0x0];
	vm1 =	vmand vm1, vm2;
	p5 =	sne.s32 s3, $0x1;
	v26, _, _ =	vpop (xrf0)  }
.Ltmp40:
0x1fd: {  	v24 =	vmpcnt.ones.xlane vm1;
	(v2sf) =	vpush v26, $0xF;
	(pc) =	sbr.rel @!p5 .LBB2_47-.Ltmp40, $4  }
0x1fe: {  	_ = 	snop  }
0x1ff: {  	s2 =	simm.s32 $0x40;
	v24 =	vxor.u32 $0x80000000, v24  }
0x200: {  	s16 =	sadd.s32 $0xFFFFFFFF, s3;
	v25 =	vor.u32 s2, v1;
	(xrf0) =	vmax.scan.msk.u32 $0xffff, v24  }
0x201: {  	s3 =	simm.s32 $0x8050;
	p4 =	por $0x1, $0x1;
	s4 =	simm.s32 $0x0;
	vm1 =	vlt.s32 v25, v21;
	vm2 =	vge.f32 v23, v22  }
.LBB2_48:
0x202: {  	v23 =	vld [tilespmem:s3+$0x0];
	p5 =	sne.s32 s16, $0x1;
	s16 =	sadd.s32 $0xFFFFFFFF, s16;
	vm1 =	vmand vm1, vm2  }
.Ltmp41:
0x203: {  	v27 =	vmpcnt.ones.xlane vm1;
	(pc) =	sbr.rel @p5 .LBB2_48-.Ltmp41, $4  }
0x204: {  	s5 =	spop (v2sf)  }
0x205: {  	s2 =	sadd.s32 $0x10, s2;
	v26 =	vxor.u32 $0x80000000, v27;
	s4 =	sadd.s32 s5, s4  }
0x206: {  	v25 =	vor.u32 s2, v1;
	(xrf0) =	vmax.scan.msk.u32 $0xffff, v26;
	v24, _, _ =	vpop (xrf0);
	s4 =	sadd.s32 $0x80000000, s4  }
0x207: {  	s3 =	sadd.s32 $0x10, s3;
	vm1 =	vlt.s32 v25, v21;
	vm2 =	vge.f32 v23, v22;
	(v2sf) =	vpush v24, $0xF  }
.Ltmp42:
0x208: {  	_ = 	snop;
	(pc) =	sbr.rel .LBB2_49-.Ltmp42, $1  }
0x209: {  	_ =	sdelay $0x3  }
.LBB2_41:
.Ltmp43:
0x20a: {  	(pc) =	sbr.rel .LBB2_49-.Ltmp43, $2  }
0x20b: {  	_ =	sdelay $0x2  }
0x20c: {  	s4 =	simm.s32 $0x0  }
.LBB2_43:
.Ltmp44:
0x20d: {  	(pc) =	sbr.rel .LBB2_49-.Ltmp44, $2  }
0x20e: {  	_ =	sdelay $0x2  }
0x20f: {  	s4 =	simm.s32 $0x0  }
.LBB2_45:
.Ltmp45:
0x210: {  	(pc) =	sbr.rel .LBB2_49-.Ltmp45, $2  }
0x211: {  	_ =	sdelay $0x3  }
0x212: {  	s4 =	simm.s32 $0x0  }
.LBB2_47:
.Ltmp46:
0x213: {  	(pc) =	sbr.rel .LBB2_49-.Ltmp46, $2  }
0x214: {  	_ =	sdelay $0x2  }
0x215: {  	s4 =	simm.s32 $0x0  }
.LBB2_51:
0x216: {  	v22 =	vmov s23  }
0x217: {  	v22 =	vbroadcast v22, $0x0;
	_ =	sdelay $0x1  }
0x218: {  	(xrf0) =	vmax.scan.msk.f32 $0xffff, v22;
	_ =	sdelay $0x5  }
0x219: {  	v22, _, _ =	vpop (xrf0)  }
0x21a: {  	(v2sf) =	vpush v22, $0xF;
	_ =	sdelay $0xb  }
.Ltmp47:
0x21b: {  	_ = 	snop;
	(pc) =	sbr.rel @p0 .LBB2_58-.Ltmp47, $3  }
0x21c: {  	_ =	sdelay $0x1  }
0x21d: {  	s0 =	spop (v2sf)  }
0x21e: {  	s21 =	simm.s32 $0x0;
	s2 =	simm.s32 $0x0;
	[smem:$0x80] =	sst s0  }
0x21f: {  	p1 =	sne.s32 s22, $0x1  }
.Ltmp48:
0x220: {  	_ = 	snop;
	(pc) =	sbr.rel @!p1 .LBB2_53-.Ltmp48, $3  }
0x221: {  	_ =	sdelay $0x1  }
0x222: {  	s2 =	simm.s32 $0x8000;
	s23 =	simm.s32 $0x8A80  }
0x223: {  	v22 =	vbroadcast v22, $0xF;
	s0 =	simm.s32 $0x0;
	p0 =	por $0x0, $0x0;
	v23 =	vld [tilespmem:s2+$0x0];
	s2 =	sadd.s32 $0xFFFFFFFF, s22  }
0x224: {  	_ =	sdelay $0x2  }
0x225: {  	v24 =	vor.u32 s0, v1  }
0x226: {  	vm1 =	vlt.s32 v24, v21;
	vm2 =	vge.f32 v23, v22  }
0x227: {  	vm1 =	vmand vm1, vm2  }
0x228: {  	v62 =	vmpcnt.ones.xlane vm1;
	_ =	sdelay $0x1  }
0x229: {  	v24 =	vxor.u32 $0x80000000, v62  }
0x22a: {  	(xrf0) =	vmax.scan.msk.u32 $0xffff, v24;
	_ =	sdelay $0x2  }
0x22b: {  	v63 =	vld [tilespmem:s23+$0x0]  }
0x22c: {  	p1 =	sne.s32 s2, $0x1  }
.Ltmp49:
0x22d: {  	_ = 	snop;
	(pc) =	sbr.rel @!p1 .LBB2_55-.Ltmp49, $4  }
0x22e: {  	[tilespmem:s0+$0x8000] =	vst.msk vm1, v23;
	v23, _, _ =	vpop (xrf0)  }
0x22f: {  	(v2sf) =	vpush v23, $0xF  }
0x230: {  	s26 =	simm.s32 $0x8010;
	s4 =	sadd.s32 $0xFFFFFFFF, s2;
	p0 =	por $0x1, $0x1;
	[tilespmem:s0+$0x8A80] =	vst.msk vm1, v63  }
0x231: {  	s25 =	simm.s32 $0x0;
	s22 =	simm.s32 $0x8A80;
	s24 =	simm.s32 $0x0;
	v23 =	vld [tilespmem:s26+$0x0]  }
.LBB2_56:
0x232: {  	p1 =	sne.s32 s4, $0x1;
	_ =	sdelay $0x1  }
0x233: {  	s25 =	sadd.s32 $0x10, s25  }
0x234: {  	v24 =	vor.u32 s25, v1  }
0x235: {  	vm1 =	vlt.s32 v24, v21;
	vm2 =	vge.f32 v23, v22  }
0x236: {  	vm1 =	vmand vm1, vm2  }
0x237: {  	v24 =	vmpcnt.ones.xlane vm1;
	_ =	sdelay $0x1  }
0x238: {  	v24 =	vxor.u32 $0x80000000, v24  }
0x239: {  	(xrf0) =	vmax.scan.msk.u32 $0xffff, v24  }
0x23a: {  	s22 =	sadd.s32 $0x10, s22  }
0x23b: {  	v24 =	vld [tilespmem:s22+$0x0]  }
0x23c: {  	s2 =	spop (v2sf)  }
0x23d: {  	s2 =	sadd.s32 s2, s24  }
.Ltmp50:
0x23e: {  	s24 =	sadd.s32 $0x80000000, s2;
	(pc) =	sbr.rel @p1 .LBB2_56-.Ltmp50, $4  }
0x23f: {  	[tilespmem:s24+$0x8000] =	vst.msk vm1, v23;
	v23, _, _ =	vpop (xrf0)  }
0x240: {  	[tilespmem:s24+$0x8A80] =	vst.msk vm1, v24;
	(v2sf) =	vpush v23, $0xF  }
0x241: {  	s26 =	sadd.s32 $0x10, s26  }
0x242: {  	s4 =	sadd.s32 $0xFFFFFFFF, s4;
	v23 =	vld [tilespmem:s26+$0x0]  }
.LBB2_57:
0x243: {  	_ = 	snop  }
0x244: {  	s2 =	sadd.s32 @p0 $0x10, s25;
	s3 =	simm.s32 $0x0  }
0x245: {  	s3 =	smov.u32 @p0 s2  }
0x246: {  	v24 =	vor.u32 s3, v1  }
0x247: {  	vm1 =	vlt.s32 v24, v21;
	vm2 =	vge.f32 v23, v22  }
0x248: {  	vm1 =	vmand vm1, vm2  }
0x249: {  	v21 =	vmpcnt.ones.xlane vm1;
	_ =	sdelay $0x1  }
0x24a: {  	v21 =	vxor.u32 $0x80000000, v21  }
0x24b: {  	(xrf0) =	vmax.scan.msk.u32 $0xffff, v21;
	_ =	sdelay $0x5  }
0x24c: {  	v21, _, _ =	vpop (xrf0)  }
0x24d: {  	(v2sf) =	vpush v21, $0xF;
	_ =	sdelay $0x9  }
0x24e: {  	s2 =	sadd.s32 @p0 $0x10, s22  }
0x24f: {  	s23 =	smov.u32 @p0 s2  }
0x250: {  	s2 =	spop @p0 (v2sf);
	v21 =	vld [tilespmem:s23+$0x0]  }
0x251: {  	s2 =	sadd.s32 @p0 s2, s24  }
0x252: {  	s2 =	sadd.s32 @p0 $0x80000000, s2  }
0x253: {  	s0 =	smov.u32 @p0 s2;
	s31 =	spop (v2sf)  }
0x254: {  	[tilespmem:s0+$0x8000] =	vst.msk vm1, v23;
	s2 =	sadd.s32 s31, s0  }
0x255: {  	[tilespmem:s0+$0x8A80] =	vst.msk vm1, v21;
	s2 =	sadd.s32 $0x80000000, s2  }
.LBB2_58:
.Ltmp51:
0x256: {  	(pc) =	sbr.rel .LBB2_59-.Ltmp51, $4  }
0x257: {  	_ = 	snop  }
0x258: {  	s0 =	sadd.s32 $0xF, s2  }
0x259: {  	s0 =	sshra.s32 s0, $0x4  }
0x25a: {  	[smem:$0x0] =	sst s2;
	[tilespmem:s2+$0x8000] =	vst v0;
	p0 =	slt.s32 s0, $0x1  }
.LBB2_66:
0x25b: {  	vm1 =	veq.f32 v23, v21;
	vm2 =	veq.s32 v24, v22  }
0x25c: {  	vm1 =	vmand vm1, vm2  }
0x25d: {  	v23 =	vsel vm1, $0xBF800000, v23  }
0x25e: {  	[tilespmem:s2+$0x0] =	vst v23  }
.LBB2_67:
0x25f: {  	v23 =	vmov s21;
	s21 =	sadd.s32 $0x1, s21  }
0x260: {  	p1 =	sne.s32 s21, $0x32  }
.Ltmp52:
0x261: {  	_ = 	snop;
	(pc) =	sbr.rel @!p1 .LBB2_68-.Ltmp52, $3  }
0x262: {  	_ =	sdelay $0x1  }
0x263: {  	[tilespmem:v23+s17+$0x0] =	vst.idx.msk $0x1, v21  }
0x264: {  	[tilespmem:v23+s18+$0x0] =	vst.idx.msk $0x1, v22  }
.LBB2_59:
.Ltmp53:
0x265: {  	(pc) =	sbr.rel @p0 .LBB2_67-.Ltmp53, $2  }
0x266: {  	_ =	sdelay $0x2  }
0x267: {  	v22 =	vmov v5;
	v21 =	vmov v4  }
0x268: {  	p1 =	sne.s32 s0, $0x1  }
.Ltmp54:
0x269: {  	_ = 	snop;
	(pc) =	sbr.rel @!p1 .LBB2_62-.Ltmp54, $3  }
0x26a: {  	_ =	sdelay $0x1  }
0x26b: {  	s2 =	simm.s32 $0x8000  }
0x26c: {  	v21 =	vimm.f32 $-1.000000000e+00;
	s3 =	sadd.s32 $0xFFFFFFFF, s0;
	s4 =	simm.s32 $0x8000;
	v22 =	vld [tilespmem:s2+$0x0]  }
.LBB2_61:
0x26d: {  	p2 =	sne.s32 s3, $0x1  }
.Ltmp55:
0x26e: {  	_ = 	snop;
	(pc) =	sbr.rel @p2 .LBB2_61-.Ltmp55, $3  }
0x26f: {  	_ =	sdelay $0x1  }
0x270: {  	s3 =	sadd.s32 $0xFFFFFFFF, s3;
	s4 =	sadd.s32 $0x10, s4;
	v21 =	vmax.f32 v21, v22  }
0x271: {  	v22 =	vld [tilespmem:s4+$0x0]  }
.LBB2_62:
0x272: {  	_ =	sdelay $0x3  }
0x273: {  	v21 =	vmax.f32 v21, v22  }
0x274: {  	(xrf0) =	vmax.scan.msk.f32 $0xffff, v21;
	_ =	sdelay $0x3  }
0x275: {  	v24 =	vld [tilespmem:s2+$0x0];
	s22 =	simm.s32 $0x8A80  }
.Ltmp56:
0x276: {  	v23 =	vld [tilespmem:s22+$0x0];
	(pc) =	sbr.rel @!p1 .LBB2_64-.Ltmp56, $3  }
0x277: {  	v21, _, _ =	vpop (xrf0)  }
0x278: {  	v21 =	vbroadcast v21, $0xF;
	_ =	sdelay $0x1  }
0x279: {  	s2 =	sadd.s32 $0xFFFFFFFF, s0;
	s3 =	simm.s32 $0x8010;
	s4 =	simm.s32 $0x8A80;
	v22 =	vimm.s32 $0x7FFFFFFF;
	vm1 =	veq.f32 v24, v21  }
.LBB2_63:
0x27a: {  	v24 =	vld [tilespmem:s3+$0x0];
	p2 =	sne.s32 s2, $0x1;
	s2 =	sadd.s32 $0xFFFFFFFF, s2;
	v25 =	vnsel vm1, $0x7FFFFFFF, v23;
	s4 =	sadd.s32 $0x10, s4  }
.Ltmp57:
0x27b: {  	v23 =	vld [tilespmem:s4+$0x0];
	vm1 =	vlt.s32 v22, v25;
	(pc) =	sbr.rel @p2 .LBB2_63-.Ltmp57, $2  }
0x27c: {  	v22 =	vsel vm1, v22, v25;
	_ =	sdelay $0x2  }
0x27d: {  	s3 =	sadd.s32 $0x10, s3;
	vm1 =	veq.f32 v24, v21  }
.LBB2_64:
0x27e: {  	v23 =	vnsel vm1, $0x7FFFFFFF, v23  }
0x27f: {  	vm1 =	vlt.s32 v22, v23  }
0x280: {  	v22 =	vsel vm1, v22, v23  }
0x281: {  	v22 =	vxor.u32 $0x80000000, v22  }
0x282: {  	(xrf0) =	vmin.scan.msk.u32 $0xffff, v22;
	_ =	sdelay $0x5  }
0x283: {  	v22, _, _ =	vpop (xrf0)  }
0x284: {  	(v2sf) =	vpush v22, $0xF;
	_ =	sdelay $0xb  }
0x285: {  	s2 =	simm.s32 $0x8000;
	v24 =	vld [tilespmem:s22+$0x0]  }
.Ltmp58:
0x286: {  	v23 =	vld [tilespmem:s2+$0x0];
	(pc) =	sbr.rel @!p1 .LBB2_66-.Ltmp58, $4  }
0x287: {  	_ = 	snop  }
0x288: {  	s3 =	spop (v2sf)  }
0x289: {  	s3 =	sxor.u32 $0x80000000, s3  }
0x28a: {  	v22 =	vmov s3;
	s3 =	sadd.s32 $0xFFFFFFFF, s0  }
.LBB2_65:
0x28b: {  	p1 =	sne.s32 s3, $0x1;
	_ =	sdelay $0x3  }
0x28c: {  	vm1 =	veq.f32 v23, v21;
	vm2 =	veq.s32 v24, v22  }
.Ltmp59:
0x28d: {  	vm1 =	vmand vm1, vm2;
	(pc) =	sbr.rel @p1 .LBB2_65-.Ltmp59, $4  }
0x28e: {  	v23 =	vsel vm1, $0xBF800000, v23  }
0x28f: {  	[tilespmem:s2+$0x0] =	vst v23;
	s2 =	sadd.s32 $0x10, s2  }
0x290: {  	s22 =	sadd.s32 $0x10, s22;
	v23 =	vld [tilespmem:s2+$0x0]  }
0x291: {  	s3 =	sadd.s32 $0xFFFFFFFF, s3;
	v24 =	vld [tilespmem:s22+$0x0]  }
.Ltmp60:
0x292: {  	_ = 	snop;
	(pc) =	sbr.rel .LBB2_66-.Ltmp60, $1  }
0x293: {  	_ =	sdelay $0x3  }
.LBB2_53:
.Ltmp61:
0x294: {  	(pc) =	sbr.rel .LBB2_57-.Ltmp61, $2  }
0x295: {  	_ =	sdelay $0x2  }
0x296: {  	s25 =	simm.s32 $0x0;
	s22 =	simm.s32 $0x8A80;
	s24 =	simm.s32 $0x0  }
.LBB2_55:
.Ltmp62:
0x297: {  	(pc) =	sbr.rel .LBB2_57-.Ltmp62, $2  }
0x298: {  	_ =	sdelay $0x2  }
0x299: {  	s25 =	simm.s32 $0x0;
	s22 =	simm.s32 $0x8A80;
	s24 =	simm.s32 $0x0  }
.LBB2_69:
0x29a: {  	_ =	sfence.sel $0x180000  }
0x29b: {  	[bflag:$0x0] =	sbarrier.arrive $0xFFFF  }
0x29c: {  	_ =	strace $0x90000047  }
0x29d: {  	s0 =	stileid.u32;
	[bflag:$0x2] =	sbarrier.arrive $0xFFFF  }
0x29e: {  	p0 =	sne.s32 s0, $0x0;
	s0 =	rddreg [dreg:$0x5]  }
0x29f: {  	s0 =	sadd.s32 @!p0 $0x100000, s0  }
0x2a0: {  	[sflag:s0] =	ssyncadd.tile.s32 @!p0 $0x1;
	_ =	shalt  }
.Lfunc_end2:
_tile_overlayer_lowered:
.L_overlay_start_2:
0x2a1: {  	(tag) =	ssettag $0x2  }
0x2a2: {  	s0 =	rddreg [dreg:$0x0];
	s2 =	stileid.u32  }
0x2a3: {  	s1 =	rddreg [dreg:$0x1];
	p0 =	sne.s32 s2, $0x0  }
0x2a4: {  	s3 =	rddreg [dreg:$0x2];
	[bflag:$0x3] =	sbarrier.arrive $0xFFFF;
	s2 =	simm.s32 @!p0 $0x1C01  }
0x2a5: {  	[timem:s3], [sflag:s2] =	dma.local @!p0 [hbm:s0], s1  }
0x2a6: {  	s0 =	simm.s32 @!p0 $0x1  }
0x2a7: {  	_ =	swait.ge @!p0 [sflag:s0], s1  }
0x2a8: {  	s1 =	ssub.s32 @!p0 $0x0, s1;
	[sflag:s0] =	ssyncset.done @!p0 $0x0  }
0x2a9: {  	[sflag:s0] =	ssyncadd.s32 @!p0 s1  }
0x2aa: {  	[bflag:$0x3] =	sbarrier.arrive $0xFFFF  }
0x2ab: {  	_ =	shalt  }

</sc_bundles>
